<compile_context>
chip_gen: v7x
topology: tpu7x:2x2x1
jax: 0.10.2.dev20260603
libtpu: 0.0.44.dev20260713+nightly
codegen_flags: <defaults>
</compile_context>

<pallas_src>
import functools

import jax
import jax.numpy as jnp
from jax import lax
from jax.experimental import pallas as pl
from jax.experimental.pallas import tpu as pltpu
from jax.experimental.pallas import tpu_sc as plsc

N_NODES = 50000
E = 800000
R = 8
C = 16
LIMIT_A = -0.1
LIMIT_B = 1.1

NC = 2
NS = 16
NW = NC * NS

E_PAD = 819200
EDGES_PER_W = E_PAD // NW
CHUNK = 512
GROUPS = CHUNK // 128
N_CHUNKS = EDGES_PER_W // CHUNK
IDX_ROWS_PER_W = EDGES_PER_W // 128

BE = 32768
GSTEPS = E_PAD // BE
BR = BE // 8
FROWS = E_PAD * C // 128


def _sc_gather_body(table, sidx, didx, p_out, q_out,
                    sidx_all, didx_all,
                    srow0, srow1, drow0, drow1,
                    gs0, gs1, ws0, ws1):
    wid = lax.axis_index("s") * NC + lax.axis_index("c")
    row0 = wid * IDX_ROWS_PER_W
    base0 = wid * EDGES_PER_W
    srow_v = (srow0, srow1)
    drow_v = (drow0, drow1)
    gsem = (gs0, gs1)
    wsem = (ws0, ws1)

    pltpu.sync_copy(sidx.at[pl.ds(row0, IDX_ROWS_PER_W)], sidx_all)
    pltpu.sync_copy(didx.at[pl.ds(row0, IDX_ROWS_PER_W)], didx_all)

    def launch_g(i, b):
        for g in range(GROUPS):
            pltpu.async_copy(table.at[sidx_all.at[i * GROUPS + g]],
                             srow_v[b].at[pl.ds(g * 128, 128)], gsem[b])
            pltpu.async_copy(table.at[didx_all.at[i * GROUPS + g]],
                             drow_v[b].at[pl.ds(g * 128, 128)], gsem[b])

    def wait_g(b):
        pltpu.make_async_copy(p_out.at[pl.ds(0, CHUNK)], srow_v[b], gsem[b]).wait()
        pltpu.make_async_copy(p_out.at[pl.ds(0, CHUNK)], drow_v[b], gsem[b]).wait()

    def launch_wb(i, b):
        off = base0 + i * CHUNK
        pltpu.async_copy(srow_v[b], p_out.at[pl.ds(off, CHUNK)], wsem[b])
        pltpu.async_copy(drow_v[b], q_out.at[pl.ds(off, CHUNK)], wsem[b])

    def wait_wb(b):
        pltpu.make_async_copy(p_out.at[pl.ds(0, CHUNK)], srow_v[b], wsem[b]).wait()
        pltpu.make_async_copy(p_out.at[pl.ds(0, CHUNK)], drow_v[b], wsem[b]).wait()

    launch_g(0, 0)
    launch_g(1, 1)

    def body(k, carry):
        for b in (0, 1):
            i = 2 * k + b
            wait_g(b)
            launch_wb(i, b)
            wait_wb(b)
            launch_g(i + 2, b)
        return carry

    lax.fori_loop(0, N_CHUNKS // 2 - 1, body, 0)

    for b in (0, 1):
        wait_g(b)
        launch_wb(N_CHUNKS - 2 + b, b)
    wait_wb(0)
    wait_wb(1)


def _sc_gather(assignments, src_idx, dst_idx):
    kern = pl.kernel(
        _sc_gather_body,
        out_type=(jax.ShapeDtypeStruct((E_PAD, C), jnp.float32),
                  jax.ShapeDtypeStruct((E_PAD, C), jnp.float32)),
        mesh=plsc.VectorSubcoreMesh(core_axis_name="c", subcore_axis_name="s"),
        scratch_types=[
            pltpu.VMEM((IDX_ROWS_PER_W, 128), jnp.int32),
            pltpu.VMEM((IDX_ROWS_PER_W, 128), jnp.int32),
            pltpu.VMEM((CHUNK, C), jnp.float32),
            pltpu.VMEM((CHUNK, C), jnp.float32),
            pltpu.VMEM((CHUNK, C), jnp.float32),
            pltpu.VMEM((CHUNK, C), jnp.float32),
            pltpu.SemaphoreType.DMA,
            pltpu.SemaphoreType.DMA,
            pltpu.SemaphoreType.DMA,
            pltpu.SemaphoreType.DMA,
        ],
        compiler_params=pltpu.CompilerParams(use_tc_tiling_on_sc=False),
    )
    return kern(assignments, src_idx, dst_idx)


def _tc_loss_body(p_ref, q_ref, et_ref, il_ref, la_ref, b_ref, out_ref):
    step = pl.program_id(0)

    z = 1.0 / (1.0 + jnp.exp(-la_ref[...]))
    z = jnp.clip(z * (LIMIT_B - LIMIT_A) + LIMIT_A, 0.0, 1.0)
    w2 = ((1.0 / (1.0 + jnp.exp(-il_ref[...]))) * z)
    w2 = w2.astype(jnp.bfloat16)

    pT = jnp.transpose(p_ref[...]).astype(jnp.bfloat16)
    qT = jnp.transpose(q_ref[...]).astype(jnp.bfloat16)

    ki = lax.broadcasted_iota(jnp.int32, (R, R * C), 0)
    kj = lax.broadcasted_iota(jnp.int32, (R, R * C), 1)
    kred = (ki == kj // C).astype(jnp.bfloat16)
    sub8 = lax.broadcasted_iota(jnp.int32, (R, BR), 0)
    row_iota = lax.broadcasted_iota(jnp.int32, (1, BR), 1)
    valid = (step * BR + row_iota) < (E // 8)

    tot = jnp.zeros((), jnp.float32)
    for g in range(8):
        qtg = qT[g * C:(g + 1) * C, :]
        ptg = pT[g * C:(g + 1) * C, :]
        t2 = lax.dot_general(w2, qtg, (((1,), (0,)), ((), ())),
                             preferred_element_type=jnp.float32
                             ).astype(jnp.bfloat16)
        ptile = jnp.concatenate([ptg] * R, axis=0)
        u2 = t2 * ptile
        l8t = lax.dot_general(kred, u2, (((1,), (0,)), ((), ())),
                              preferred_element_type=jnp.float32)

        et_row = et_ref[0, g:g + 1, :].astype(jnp.int32)
        onehot = sub8 == et_row
        lsel = jnp.where(onehot, l8t, 0.0)
        bsel = jnp.where(onehot, b_ref[...], 0.0)
        logits = (jnp.sum(lsel, axis=0, keepdims=True)
                  + jnp.sum(bsel, axis=0, keepdims=True))

        sp = jnp.maximum(-logits, 0.0) + jnp.log(1.0 + jnp.exp(-jnp.abs(logits)))
        sp = jnp.where(valid, sp, 0.0)
        tot = tot + jnp.sum(sp)

    @pl.when(step == 0)
    def _init():
        out_ref[...] = jnp.zeros_like(out_ref)

    out_ref[...] = out_ref[...] + tot.reshape(1, 1)

    @pl.when(step == GSTEPS - 1)
    def _final():
        out_ref[...] = out_ref[...] * (1.0 / E)


def _tc_loss(p, q, et2, il2, la2, bias2):
    return pl.pallas_call(
        _tc_loss_body,
        grid=(GSTEPS,),
        in_specs=[
            pl.BlockSpec((BR, 128), lambda i: (i, 0)),
            pl.BlockSpec((BR, 128), lambda i: (i, 0)),
            pl.BlockSpec((1, R, BR), lambda i: (i, 0, 0)),
            pl.BlockSpec((R * C, C), lambda i: (0, 0)),
            pl.BlockSpec((R * C, C), lambda i: (0, 0)),
            pl.BlockSpec((R, 1), lambda i: (0, 0)),
        ],
        out_specs=pl.BlockSpec((1, 1), lambda i: (0, 0)),
        out_shape=jax.ShapeDtypeStruct((1, 1), jnp.float32),
        compiler_params=pltpu.CompilerParams(
            dimension_semantics=("arbitrary",)),
    )(p, q, et2, il2, la2, bias2)


def kernel(assignments, edge_index, edge_type, inter_cluster_logits,
           absent_bias, log_alpha):
    pad = E_PAD - E
    zpad = jnp.zeros((pad,), jnp.int32)
    src_p = jnp.concatenate([edge_index[0], zpad]).reshape(E_PAD // 128, 128)
    dst_p = jnp.concatenate([edge_index[1], zpad]).reshape(E_PAD // 128, 128)
    et2 = (jnp.concatenate([edge_type, zpad]).astype(jnp.int8)
           .reshape(GSTEPS, BR, 8).transpose(0, 2, 1))
    il2 = inter_cluster_logits.reshape(R * C, C)
    la2 = log_alpha.reshape(R * C, C)
    bias2 = absent_bias.reshape(R, 1)

    p, q = _sc_gather(assignments, src_p, dst_p)
    pf = p.reshape(FROWS, 128)
    qf = q.reshape(FROWS, 128)
    out = _tc_loss(pf, qf, et2, il2, la2, bias2)
    return out[0, 0]

# --- scband reference (transcript-rebuilt; emitter-appended) ---
"""Pipeline reference for scband-self-compressing-rgcnauto-encoder-31318901522602 (READ-ONLY COPY).

The authoritative reference and input builder live on the scoring server;
editing this copy changes nothing except your own understanding.
"""

import jax, jax.numpy as jnp
import numpy as np

N_NODES = 50000
N_EDGES = 800000
R = 8
C = 16
LIMIT_A = -0.1
LIMIT_B = 1.1


def setup_inputs(seed: int = 0) -> dict:
    key = jax.random.key(seed)
    k1, k2, k3, k4 = jax.random.split(key, 4)
    assignments = jax.random.normal(k1, (N_NODES, C), dtype=jnp.float32)
    edge_index = jax.random.randint(k2, (2, N_EDGES), 0, N_NODES, dtype=jnp.int32)
    edge_type = jax.random.randint(k3, (N_EDGES,), 0, R, dtype=jnp.int32)
    # learned parameters (match torch init: xavier for inter_cluster_logits, zeros elsewhere)
    fan = C + C
    bound = float(np.sqrt(6.0 / fan))
    inter_cluster_logits = jax.random.uniform(k4, (R, C, C), minval=-bound, maxval=bound, dtype=jnp.float32)
    absent_bias = jnp.zeros((R,), dtype=jnp.float32)
    log_alpha = jnp.zeros((R, C, C), dtype=jnp.float32)
    return {
        'assignments': assignments,
        'edge_index': edge_index,
        'edge_type': edge_type,
        'inter_cluster_logits': inter_cluster_logits,
        'absent_bias': absent_bias,
        'log_alpha': log_alpha,
    }


def reference(assignments, edge_index, edge_type, inter_cluster_logits, absent_bias, log_alpha):
    # HardConcreteGate in eval mode: z = sigmoid(log_alpha), stretched and clamped
    z = jax.nn.sigmoid(log_alpha)
    z = jnp.clip(z * (LIMIT_B - LIMIT_A) + LIMIT_A, 0.0, 1.0)
    weights = jax.nn.sigmoid(inter_cluster_logits) * z  # [R, C, C]
    # edge logits (positive edges)
    src = assignments[edge_index[0]]                      # [E, C] gather
    dst = assignments[edge_index[1]]                      # [E, C] gather
    rel_w = weights[edge_type]                            # [E, C, C] gather
    weighted_dst = jnp.einsum('eij,ej->ei', rel_w, dst)   # bmm equivalent
    logits = jnp.sum(src * weighted_dst, axis=-1) + absent_bias[edge_type]
    # BCE-with-logits against all-ones targets: mean(softplus(-logits))
    pos_loss = jnp.mean(jax.nn.softplus(-logits))
    # negative_sampling_ratio = 0.0 -> neg_loss = 0, recon_loss = pos_loss
    recon_loss = pos_loss
    return recon_loss


if False:  # reference __main__ guard neutralized (emitter)
    out = reference(**setup_inputs())
    print(out)

if __name__ == "__main__":
    import jax
    _d = setup_inputs()
    print(jax.jit(kernel)(*tuple(_d.values())))

</pallas_src>

<mosaic_0001>
#map = affine_map<(d0, d1) -> (0, 0)>
module attributes {stable_mosaic.version = 14 : i64} {
  func.func @_sc_gather_body(%arg0: i32, %arg1: i32, %arg2: memref<50000x16xf32, #tpu.memory_space<hbm>>, %arg3: memref<6400x128xi32, #tpu.memory_space<hbm>>, %arg4: memref<6400x128xi32, #tpu.memory_space<hbm>>, %arg5: memref<819200x16xf32, #tpu.memory_space<hbm>>, %arg6: memref<819200x16xf32, #tpu.memory_space<hbm>>, %arg7: memref<200x128xi32, #tpu.memory_space<vmem>>, %arg8: memref<200x128xi32, #tpu.memory_space<vmem>>, %arg9: memref<512x16xf32, #tpu.memory_space<vmem>>, %arg10: memref<512x16xf32, #tpu.memory_space<vmem>>, %arg11: memref<512x16xf32, #tpu.memory_space<vmem>>, %arg12: memref<512x16xf32, #tpu.memory_space<vmem>>, %arg13: memref<!tpu.dma_semaphore, #tpu.memory_space<semaphore_mem>>, %arg14: memref<!tpu.dma_semaphore, #tpu.memory_space<semaphore_mem>>, %arg15: memref<!tpu.dma_semaphore, #tpu.memory_space<semaphore_mem>>, %arg16: memref<!tpu.dma_semaphore, #tpu.memory_space<semaphore_mem>>) attributes {dimension_semantics = [#tpu.dimension_semantics<core_parallel>, #tpu.dimension_semantics<subcore_parallel>], iteration_bounds = array<i64: 2, 16>, scalar_prefetch = 0 : i64, scratch_operands = 10 : i64, tpu.core_type = #tpu.core_type<sc_vector_subcore>, window_params = [{transform_indices = #map}, {transform_indices = #map}, {transform_indices = #map}, {transform_indices = #map}, {transform_indices = #map}]} {
    %mul3A = arith.constant 2 : i32
    %mul3A_0 = arith.muli %arg1, %mul3A : i32
    %add3A = arith.addi %mul3A_0, %arg0 : i32
    %mul3A_1 = arith.constant 200 : i32
    %mul3A_2 = arith.muli %add3A, %mul3A_1 : i32
    %mul3A_3 = arith.constant 25600 : i32
    %mul3A_4 = arith.muli %add3A, %mul3A_3 : i32
    "tpu.region"() ({
      %run_scoped3A = tpu.sem_alloc : memref<!tpu.dma_semaphore, #tpu.memory_space<semaphore_mem>>
      %dma_start3A_236 = arith.constant 0 : i32
      %dma_start3A_237 = tpu.memref_slice %arg3[%mul3A_2, %dma_start3A_236] : memref<6400x128xi32, #tpu.memory_space<hbm>> -> memref<200x128xi32, #tpu.memory_space<hbm>>
      %dma_start3A_238 = arith.constant 0 : i32
      %dma_start3A_239 = tpu.memref_slice %arg3[%mul3A_2, %dma_start3A_238] : memref<6400x128xi32, #tpu.memory_space<hbm>> -> memref<200x128xi32, #tpu.memory_space<hbm>>
      tpu.enqueue_dma source(%dma_start3A_239 : memref<200x128xi32, #tpu.memory_space<hbm>>) target(%arg7 : memref<200x128xi32, #tpu.memory_space<vmem>>) target_semaphore(%run_scoped3A : memref<!tpu.dma_semaphore, #tpu.memory_space<semaphore_mem>>)
      %dma_wait3A_240 = arith.constant 0 : i32
      %dma_wait3A_241 = tpu.memref_slice %arg3[%mul3A_2, %dma_wait3A_240] : memref<6400x128xi32, #tpu.memory_space<hbm>> -> memref<200x128xi32, #tpu.memory_space<hbm>>
      %dma_wait3A_242 = arith.constant 0 : i32
      %dma_wait3A_243 = tpu.memref_slice %arg3[%mul3A_2, %dma_wait3A_242] : memref<6400x128xi32, #tpu.memory_space<hbm>> -> memref<200x128xi32, #tpu.memory_space<hbm>>
      tpu.wait_dma2 semaphore(%run_scoped3A : memref<!tpu.dma_semaphore, #tpu.memory_space<semaphore_mem>>) src(%dma_wait3A_243 : memref<200x128xi32, #tpu.memory_space<hbm>>) dst(%arg7 : memref<200x128xi32, #tpu.memory_space<vmem>>)
      tpu.yield
    }) : () -> ()
    "tpu.region"() ({
      %run_scoped3A = tpu.sem_alloc : memref<!tpu.dma_semaphore, #tpu.memory_space<semaphore_mem>>
      %dma_start3A_236 = arith.constant 0 : i32
      %dma_start3A_237 = tpu.memref_slice %arg4[%mul3A_2, %dma_start3A_236] : memref<6400x128xi32, #tpu.memory_space<hbm>> -> memref<200x128xi32, #tpu.memory_space<hbm>>
      %dma_start3A_238 = arith.constant 0 : i32
      %dma_start3A_239 = tpu.memref_slice %arg4[%mul3A_2, %dma_start3A_238] : memref<6400x128xi32, #tpu.memory_space<hbm>> -> memref<200x128xi32, #tpu.memory_space<hbm>>
      tpu.enqueue_dma source(%dma_start3A_239 : memref<200x128xi32, #tpu.memory_space<hbm>>) target(%arg8 : memref<200x128xi32, #tpu.memory_space<vmem>>) target_semaphore(%run_scoped3A : memref<!tpu.dma_semaphore, #tpu.memory_space<semaphore_mem>>)
      %dma_wait3A_240 = arith.constant 0 : i32
      %dma_wait3A_241 = tpu.memref_slice %arg4[%mul3A_2, %dma_wait3A_240] : memref<6400x128xi32, #tpu.memory_space<hbm>> -> memref<200x128xi32, #tpu.memory_space<hbm>>
      %dma_wait3A_242 = arith.constant 0 : i32
      %dma_wait3A_243 = tpu.memref_slice %arg4[%mul3A_2, %dma_wait3A_242] : memref<6400x128xi32, #tpu.memory_space<hbm>> -> memref<200x128xi32, #tpu.memory_space<hbm>>
      tpu.wait_dma2 semaphore(%run_scoped3A : memref<!tpu.dma_semaphore, #tpu.memory_space<semaphore_mem>>) src(%dma_wait3A_243 : memref<200x128xi32, #tpu.memory_space<hbm>>) dst(%arg8 : memref<200x128xi32, #tpu.memory_space<vmem>>)
      tpu.yield
    }) : () -> ()
    %dma_start3A = arith.constant 0 : i32
    %dma_start3A_5 = arith.constant 0 : i32
    %dma_start3A_6 = arith.constant 0 : i32
    %dma_start3A_7 = tpu.memref_slice %arg9[%dma_start3A_5, %dma_start3A_6] : memref<512x16xf32, #tpu.memory_space<vmem>> -> memref<128x16xf32, #tpu.memory_space<vmem>>
    %dma_start3A_8 = arith.constant 0 : i32
    %dma_start3A_9 = tpu.memref_slice %arg7[%dma_start3A, %dma_start3A_8] : memref<200x128xi32, #tpu.memory_space<vmem>> -> memref<1x128xi32, #tpu.memory_space<vmem>>
    %dma_start3A_10 = tpu.memref_squeeze %dma_start3A_9 : memref<1x128xi32, #tpu.memory_space<vmem>> -> memref<128xi32, #tpu.memory_space<vmem>>
    %dma_start3A_11 = arith.constant 0 : i32
    %dma_start3A_12 = arith.constant 0 : i32
    %dma_start3A_13 = tpu.memref_slice %arg2[%dma_start3A_11, %dma_start3A_12] : memref<50000x16xf32, #tpu.memory_space<hbm>> -> memref<50000x16xf32, #tpu.memory_space<hbm>>
    tpu.enqueue_indirect_dma source(%dma_start3A_13 : memref<50000x16xf32, #tpu.memory_space<hbm>>) target(%dma_start3A_7 : memref<128x16xf32, #tpu.memory_space<vmem>>) offsets(%dma_start3A_10 : memref<128xi32, #tpu.memory_space<vmem>>) semaphore(%arg13 : memref<!tpu.dma_semaphore, #tpu.memory_space<semaphore_mem>>)
    %dma_start3A_14 = arith.constant 0 : i32
    %dma_start3A_15 = arith.constant 0 : i32
    %dma_start3A_16 = arith.constant 0 : i32
    %dma_start3A_17 = tpu.memref_slice %arg11[%dma_start3A_15, %dma_start3A_16] : memref<512x16xf32, #tpu.memory_space<vmem>> -> memref<128x16xf32, #tpu.memory_space<vmem>>
    %dma_start3A_18 = arith.constant 0 : i32
    %dma_start3A_19 = tpu.memref_slice %arg8[%dma_start3A_14, %dma_start3A_18] : memref<200x128xi32, #tpu.memory_space<vmem>> -> memref<1x128xi32, #tpu.memory_space<vmem>>
    %dma_start3A_20 = tpu.memref_squeeze %dma_start3A_19 : memref<1x128xi32, #tpu.memory_space<vmem>> -> memref<128xi32, #tpu.memory_space<vmem>>
    %dma_start3A_21 = arith.constant 0 : i32
    %dma_start3A_22 = arith.constant 0 : i32
    %dma_start3A_23 = tpu.memref_slice %arg2[%dma_start3A_21, %dma_start3A_22] : memref<50000x16xf32, #tpu.memory_space<hbm>> -> memref<50000x16xf32, #tpu.memory_space<hbm>>
    tpu.enqueue_indirect_dma source(%dma_start3A_23 : memref<50000x16xf32, #tpu.memory_space<hbm>>) target(%dma_start3A_17 : memref<128x16xf32, #tpu.memory_space<vmem>>) offsets(%dma_start3A_20 : memref<128xi32, #tpu.memory_space<vmem>>) semaphore(%arg13 : memref<!tpu.dma_semaphore, #tpu.memory_space<semaphore_mem>>)
    %dma_start3A_24 = arith.constant 1 : i32
    %dma_start3A_25 = arith.constant 128 : i32
    %dma_start3A_26 = arith.constant 0 : i32
    %dma_start3A_27 = tpu.memref_slice %arg9[%dma_start3A_25, %dma_start3A_26] : memref<512x16xf32, #tpu.memory_space<vmem>> -> memref<128x16xf32, #tpu.memory_space<vmem>>
    %dma_start3A_28 = arith.constant 0 : i32
    %dma_start3A_29 = tpu.memref_slice %arg7[%dma_start3A_24, %dma_start3A_28] : memref<200x128xi32, #tpu.memory_space<vmem>> -> memref<1x128xi32, #tpu.memory_space<vmem>>
    %dma_start3A_30 = tpu.memref_squeeze %dma_start3A_29 : memref<1x128xi32, #tpu.memory_space<vmem>> -> memref<128xi32, #tpu.memory_space<vmem>>
    %dma_start3A_31 = arith.constant 0 : i32
    %dma_start3A_32 = arith.constant 0 : i32
    %dma_start3A_33 = tpu.memref_slice %arg2[%dma_start3A_31, %dma_start3A_32] : memref<50000x16xf32, #tpu.memory_space<hbm>> -> memref<50000x16xf32, #tpu.memory_space<hbm>>
    tpu.enqueue_indirect_dma source(%dma_start3A_33 : memref<50000x16xf32, #tpu.memory_space<hbm>>) target(%dma_start3A_27 : memref<128x16xf32, #tpu.memory_space<vmem>>) offsets(%dma_start3A_30 : memref<128xi32, #tpu.memory_space<vmem>>) semaphore(%arg13 : memref<!tpu.dma_semaphore, #tpu.memory_space<semaphore_mem>>)
    %dma_start3A_34 = arith.constant 1 : i32
    %dma_start3A_35 = arith.constant 128 : i32
    %dma_start3A_36 = arith.constant 0 : i32
    %dma_start3A_37 = tpu.memref_slice %arg11[%dma_start3A_35, %dma_start3A_36] : memref<512x16xf32, #tpu.memory_space<vmem>> -> memref<128x16xf32, #tpu.memory_space<vmem>>
    %dma_start3A_38 = arith.constant 0 : i32
    %dma_start3A_39 = tpu.memref_slice %arg8[%dma_start3A_34, %dma_start3A_38] : memref<200x128xi32, #tpu.memory_space<vmem>> -> memref<1x128xi32, #tpu.memory_space<vmem>>
    %dma_start3A_40 = tpu.memref_squeeze %dma_start3A_39 : memref<1x128xi32, #tpu.memory_space<vmem>> -> memref<128xi32, #tpu.memory_space<vmem>>
    %dma_start3A_41 = arith.constant 0 : i32
    %dma_start3A_42 = arith.constant 0 : i32
    %dma_start3A_43 = tpu.memref_slice %arg2[%dma_start3A_41, %dma_start3A_42] : memref<50000x16xf32, #tpu.memory_space<hbm>> -> memref<50000x16xf32, #tpu.memory_space<hbm>>
    tpu.enqueue_indirect_dma source(%dma_start3A_43 : memref<50000x16xf32, #tpu.memory_space<hbm>>) target(%dma_start3A_37 : memref<128x16xf32, #tpu.memory_space<vmem>>) offsets(%dma_start3A_40 : memref<128xi32, #tpu.memory_space<vmem>>) semaphore(%arg13 : memref<!tpu.dma_semaphore, #tpu.memory_space<semaphore_mem>>)
    %dma_start3A_44 = arith.constant 2 : i32
    %dma_start3A_45 = arith.constant 256 : i32
    %dma_start3A_46 = arith.constant 0 : i32
    %dma_start3A_47 = tpu.memref_slice %arg9[%dma_start3A_45, %dma_start3A_46] : memref<512x16xf32, #tpu.memory_space<vmem>> -> memref<128x16xf32, #tpu.memory_space<vmem>>
    %dma_start3A_48 = arith.constant 0 : i32
    %dma_start3A_49 = tpu.memref_slice %arg7[%dma_start3A_44, %dma_start3A_48] : memref<200x128xi32, #tpu.memory_space<vmem>> -> memref<1x128xi32, #tpu.memory_space<vmem>>
    %dma_start3A_50 = tpu.memref_squeeze %dma_start3A_49 : memref<1x128xi32, #tpu.memory_space<vmem>> -> memref<128xi32, #tpu.memory_space<vmem>>
    %dma_start3A_51 = arith.constant 0 : i32
    %dma_start3A_52 = arith.constant 0 : i32
    %dma_start3A_53 = tpu.memref_slice %arg2[%dma_start3A_51, %dma_start3A_52] : memref<50000x16xf32, #tpu.memory_space<hbm>> -> memref<50000x16xf32, #tpu.memory_space<hbm>>
    tpu.enqueue_indirect_dma source(%dma_start3A_53 : memref<50000x16xf32, #tpu.memory_space<hbm>>) target(%dma_start3A_47 : memref<128x16xf32, #tpu.memory_space<vmem>>) offsets(%dma_start3A_50 : memref<128xi32, #tpu.memory_space<vmem>>) semaphore(%arg13 : memref<!tpu.dma_semaphore, #tpu.memory_space<semaphore_mem>>)
    %dma_start3A_54 = arith.constant 2 : i32
    %dma_start3A_55 = arith.constant 256 : i32
    %dma_start3A_56 = arith.constant 0 : i32
    %dma_start3A_57 = tpu.memref_slice %arg11[%dma_start3A_55, %dma_start3A_56] : memref<512x16xf32, #tpu.memory_space<vmem>> -> memref<128x16xf32, #tpu.memory_space<vmem>>
    %dma_start3A_58 = arith.constant 0 : i32
    %dma_start3A_59 = tpu.memref_slice %arg8[%dma_start3A_54, %dma_start3A_58] : memref<200x128xi32, #tpu.memory_space<vmem>> -> memref<1x128xi32, #tpu.memory_space<vmem>>
    %dma_start3A_60 = tpu.memref_squeeze %dma_start3A_59 : memref<1x128xi32, #tpu.memory_space<vmem>> -> memref<128xi32, #tpu.memory_space<vmem>>
    %dma_start3A_61 = arith.constant 0 : i32
    %dma_start3A_62 = arith.constant 0 : i32
    %dma_start3A_63 = tpu.memref_slice %arg2[%dma_start3A_61, %dma_start3A_62] : memref<50000x16xf32, #tpu.memory_space<hbm>> -> memref<50000x16xf32, #tpu.memory_space<hbm>>
    tpu.enqueue_indirect_dma source(%dma_start3A_63 : memref<50000x16xf32, #tpu.memory_space<hbm>>) target(%dma_start3A_57 : memref<128x16xf32, #tpu.memory_space<vmem>>) offsets(%dma_start3A_60 : memref<128xi32, #tpu.memory_space<vmem>>) semaphore(%arg13 : memref<!tpu.dma_semaphore, #tpu.memory_space<semaphore_mem>>)
    %dma_start3A_64 = arith.constant 3 : i32
    %dma_start3A_65 = arith.constant 384 : i32
    %dma_start3A_66 = arith.constant 0 : i32
    %dma_start3A_67 = tpu.memref_slice %arg9[%dma_start3A_65, %dma_start3A_66] : memref<512x16xf32, #tpu.memory_space<vmem>> -> memref<128x16xf32, #tpu.memory_space<vmem>>
    %dma_start3A_68 = arith.constant 0 : i32
    %dma_start3A_69 = tpu.memref_slice %arg7[%dma_start3A_64, %dma_start3A_68] : memref<200x128xi32, #tpu.memory_space<vmem>> -> memref<1x128xi32, #tpu.memory_space<vmem>>
    %dma_start3A_70 = tpu.memref_squeeze %dma_start3A_69 : memref<1x128xi32, #tpu.memory_space<vmem>> -> memref<128xi32, #tpu.memory_space<vmem>>
    %dma_start3A_71 = arith.constant 0 : i32
    %dma_start3A_72 = arith.constant 0 : i32
    %dma_start3A_73 = tpu.memref_slice %arg2[%dma_start3A_71, %dma_start3A_72] : memref<50000x16xf32, #tpu.memory_space<hbm>> -> memref<50000x16xf32, #tpu.memory_space<hbm>>
    tpu.enqueue_indirect_dma source(%dma_start3A_73 : memref<50000x16xf32, #tpu.memory_space<hbm>>) target(%dma_start3A_67 : memref<128x16xf32, #tpu.memory_space<vmem>>) offsets(%dma_start3A_70 : memref<128xi32, #tpu.memory_space<vmem>>) semaphore(%arg13 : memref<!tpu.dma_semaphore, #tpu.memory_space<semaphore_mem>>)
    %dma_start3A_74 = arith.constant 3 : i32
    %dma_start3A_75 = arith.constant 384 : i32
    %dma_start3A_76 = arith.constant 0 : i32
    %dma_start3A_77 = tpu.memref_slice %arg11[%dma_start3A_75, %dma_start3A_76] : memref<512x16xf32, #tpu.memory_space<vmem>> -> memref<128x16xf32, #tpu.memory_space<vmem>>
    %dma_start3A_78 = arith.constant 0 : i32
    %dma_start3A_79 = tpu.memref_slice %arg8[%dma_start3A_74, %dma_start3A_78] : memref<200x128xi32, #tpu.memory_space<vmem>> -> memref<1x128xi32, #tpu.memory_space<vmem>>
    %dma_start3A_80 = tpu.memref_squeeze %dma_start3A_79 : memref<1x128xi32, #tpu.memory_space<vmem>> -> memref<128xi32, #tpu.memory_space<vmem>>
    %dma_start3A_81 = arith.constant 0 : i32
    %dma_start3A_82 = arith.constant 0 : i32
    %dma_start3A_83 = tpu.memref_slice %arg2[%dma_start3A_81, %dma_start3A_82] : memref<50000x16xf32, #tpu.memory_space<hbm>> -> memref<50000x16xf32, #tpu.memory_space<hbm>>
    tpu.enqueue_indirect_dma source(%dma_start3A_83 : memref<50000x16xf32, #tpu.memory_space<hbm>>) target(%dma_start3A_77 : memref<128x16xf32, #tpu.memory_space<vmem>>) offsets(%dma_start3A_80 : memref<128xi32, #tpu.memory_space<vmem>>) semaphore(%arg13 : memref<!tpu.dma_semaphore, #tpu.memory_space<semaphore_mem>>)
    %dma_start3A_84 = arith.constant 4 : i32
    %dma_start3A_85 = arith.constant 0 : i32
    %dma_start3A_86 = arith.constant 0 : i32
    %dma_start3A_87 = tpu.memref_slice %arg10[%dma_start3A_85, %dma_start3A_86] : memref<512x16xf32, #tpu.memory_space<vmem>> -> memref<128x16xf32, #tpu.memory_space<vmem>>
    %dma_start3A_88 = arith.constant 0 : i32
    %dma_start3A_89 = tpu.memref_slice %arg7[%dma_start3A_84, %dma_start3A_88] : memref<200x128xi32, #tpu.memory_space<vmem>> -> memref<1x128xi32, #tpu.memory_space<vmem>>
    %dma_start3A_90 = tpu.memref_squeeze %dma_start3A_89 : memref<1x128xi32, #tpu.memory_space<vmem>> -> memref<128xi32, #tpu.memory_space<vmem>>
    %dma_start3A_91 = arith.constant 0 : i32
    %dma_start3A_92 = arith.constant 0 : i32
    %dma_start3A_93 = tpu.memref_slice %arg2[%dma_start3A_91, %dma_start3A_92] : memref<50000x16xf32, #tpu.memory_space<hbm>> -> memref<50000x16xf32, #tpu.memory_space<hbm>>
    tpu.enqueue_indirect_dma source(%dma_start3A_93 : memref<50000x16xf32, #tpu.memory_space<hbm>>) target(%dma_start3A_87 : memref<128x16xf32, #tpu.memory_space<vmem>>) offsets(%dma_start3A_90 : memref<128xi32, #tpu.memory_space<vmem>>) semaphore(%arg14 : memref<!tpu.dma_semaphore, #tpu.memory_space<semaphore_mem>>)
    %dma_start3A_94 = arith.constant 4 : i32
    %dma_start3A_95 = arith.constant 0 : i32
    %dma_start3A_96 = arith.constant 0 : i32
    %dma_start3A_97 = tpu.memref_slice %arg12[%dma_start3A_95, %dma_start3A_96] : memref<512x16xf32, #tpu.memory_space<vmem>> -> memref<128x16xf32, #tpu.memory_space<vmem>>
    %dma_start3A_98 = arith.constant 0 : i32
    %dma_start3A_99 = tpu.memref_slice %arg8[%dma_start3A_94, %dma_start3A_98] : memref<200x128xi32, #tpu.memory_space<vmem>> -> memref<1x128xi32, #tpu.memory_space<vmem>>
    %dma_start3A_100 = tpu.memref_squeeze %dma_start3A_99 : memref<1x128xi32, #tpu.memory_space<vmem>> -> memref<128xi32, #tpu.memory_space<vmem>>
    %dma_start3A_101 = arith.constant 0 : i32
    %dma_start3A_102 = arith.constant 0 : i32
    %dma_start3A_103 = tpu.memref_slice %arg2[%dma_start3A_101, %dma_start3A_102] : memref<50000x16xf32, #tpu.memory_space<hbm>> -> memref<50000x16xf32, #tpu.memory_space<hbm>>
    tpu.enqueue_indirect_dma source(%dma_start3A_103 : memref<50000x16xf32, #tpu.memory_space<hbm>>) target(%dma_start3A_97 : memref<128x16xf32, #tpu.memory_space<vmem>>) offsets(%dma_start3A_100 : memref<128xi32, #tpu.memory_space<vmem>>) semaphore(%arg14 : memref<!tpu.dma_semaphore, #tpu.memory_space<semaphore_mem>>)
    %dma_start3A_104 = arith.constant 5 : i32
    %dma_start3A_105 = arith.constant 128 : i32
    %dma_start3A_106 = arith.constant 0 : i32
    %dma_start3A_107 = tpu.memref_slice %arg10[%dma_start3A_105, %dma_start3A_106] : memref<512x16xf32, #tpu.memory_space<vmem>> -> memref<128x16xf32, #tpu.memory_space<vmem>>
    %dma_start3A_108 = arith.constant 0 : i32
    %dma_start3A_109 = tpu.memref_slice %arg7[%dma_start3A_104, %dma_start3A_108] : memref<200x128xi32, #tpu.memory_space<vmem>> -> memref<1x128xi32, #tpu.memory_space<vmem>>
    %dma_start3A_110 = tpu.memref_squeeze %dma_start3A_109 : memref<1x128xi32, #tpu.memory_space<vmem>> -> memref<128xi32, #tpu.memory_space<vmem>>
    %dma_start3A_111 = arith.constant 0 : i32
    %dma_start3A_112 = arith.constant 0 : i32
    %dma_start3A_113 = tpu.memref_slice %arg2[%dma_start3A_111, %dma_start3A_112] : memref<50000x16xf32, #tpu.memory_space<hbm>> -> memref<50000x16xf32, #tpu.memory_space<hbm>>
    tpu.enqueue_indirect_dma source(%dma_start3A_113 : memref<50000x16xf32, #tpu.memory_space<hbm>>) target(%dma_start3A_107 : memref<128x16xf32, #tpu.memory_space<vmem>>) offsets(%dma_start3A_110 : memref<128xi32, #tpu.memory_space<vmem>>) semaphore(%arg14 : memref<!tpu.dma_semaphore, #tpu.memory_space<semaphore_mem>>)
    %dma_start3A_114 = arith.constant 5 : i32
    %dma_start3A_115 = arith.constant 128 : i32
    %dma_start3A_116 = arith.constant 0 : i32
    %dma_start3A_117 = tpu.memref_slice %arg12[%dma_start3A_115, %dma_start3A_116] : memref<512x16xf32, #tpu.memory_space<vmem>> -> memref<128x16xf32, #tpu.memory_space<vmem>>
    %dma_start3A_118 = arith.constant 0 : i32
    %dma_start3A_119 = tpu.memref_slice %arg8[%dma_start3A_114, %dma_start3A_118] : memref<200x128xi32, #tpu.memory_space<vmem>> -> memref<1x128xi32, #tpu.memory_space<vmem>>
    %dma_start3A_120 = tpu.memref_squeeze %dma_start3A_119 : memref<1x128xi32, #tpu.memory_space<vmem>> -> memref<128xi32, #tpu.memory_space<vmem>>
    %dma_start3A_121 = arith.constant 0 : i32
    %dma_start3A_122 = arith.constant 0 : i32
    %dma_start3A_123 = tpu.memref_slice %arg2[%dma_start3A_121, %dma_start3A_122] : memref<50000x16xf32, #tpu.memory_space<hbm>> -> memref<50000x16xf32, #tpu.memory_space<hbm>>
    tpu.enqueue_indirect_dma source(%dma_start3A_123 : memref<50000x16xf32, #tpu.memory_space<hbm>>) target(%dma_start3A_117 : memref<128x16xf32, #tpu.memory_space<vmem>>) offsets(%dma_start3A_120 : memref<128xi32, #tpu.memory_space<vmem>>) semaphore(%arg14 : memref<!tpu.dma_semaphore, #tpu.memory_space<semaphore_mem>>)
    %dma_start3A_124 = arith.constant 6 : i32
    %dma_start3A_125 = arith.constant 256 : i32
    %dma_start3A_126 = arith.constant 0 : i32
    %dma_start3A_127 = tpu.memref_slice %arg10[%dma_start3A_125, %dma_start3A_126] : memref<512x16xf32, #tpu.memory_space<vmem>> -> memref<128x16xf32, #tpu.memory_space<vmem>>
    %dma_start3A_128 = arith.constant 0 : i32
    %dma_start3A_129 = tpu.memref_slice %arg7[%dma_start3A_124, %dma_start3A_128] : memref<200x128xi32, #tpu.memory_space<vmem>> -> memref<1x128xi32, #tpu.memory_space<vmem>>
    %dma_start3A_130 = tpu.memref_squeeze %dma_start3A_129 : memref<1x128xi32, #tpu.memory_space<vmem>> -> memref<128xi32, #tpu.memory_space<vmem>>
    %dma_start3A_131 = arith.constant 0 : i32
    %dma_start3A_132 = arith.constant 0 : i32
    %dma_start3A_133 = tpu.memref_slice %arg2[%dma_start3A_131, %dma_start3A_132] : memref<50000x16xf32, #tpu.memory_space<hbm>> -> memref<50000x16xf32, #tpu.memory_space<hbm>>
    tpu.enqueue_indirect_dma source(%dma_start3A_133 : memref<50000x16xf32, #tpu.memory_space<hbm>>) target(%dma_start3A_127 : memref<128x16xf32, #tpu.memory_space<vmem>>) offsets(%dma_start3A_130 : memref<128xi32, #tpu.memory_space<vmem>>) semaphore(%arg14 : memref<!tpu.dma_semaphore, #tpu.memory_space<semaphore_mem>>)
    %dma_start3A_134 = arith.constant 6 : i32
    %dma_start3A_135 = arith.constant 256 : i32
    %dma_start3A_136 = arith.constant 0 : i32
    %dma_start3A_137 = tpu.memref_slice %arg12[%dma_start3A_135, %dma_start3A_136] : memref<512x16xf32, #tpu.memory_space<vmem>> -> memref<128x16xf32, #tpu.memory_space<vmem>>
    %dma_start3A_138 = arith.constant 0 : i32
    %dma_start3A_139 = tpu.memref_slice %arg8[%dma_start3A_134, %dma_start3A_138] : memref<200x128xi32, #tpu.memory_space<vmem>> -> memref<1x128xi32, #tpu.memory_space<vmem>>
    %dma_start3A_140 = tpu.memref_squeeze %dma_start3A_139 : memref<1x128xi32, #tpu.memory_space<vmem>> -> memref<128xi32, #tpu.memory_space<vmem>>
    %dma_start3A_141 = arith.constant 0 : i32
    %dma_start3A_142 = arith.constant 0 : i32
    %dma_start3A_143 = tpu.memref_slice %arg2[%dma_start3A_141, %dma_start3A_142] : memref<50000x16xf32, #tpu.memory_space<hbm>> -> memref<50000x16xf32, #tpu.memory_space<hbm>>
    tpu.enqueue_indirect_dma source(%dma_start3A_143 : memref<50000x16xf32, #tpu.memory_space<hbm>>) target(%dma_start3A_137 : memref<128x16xf32, #tpu.memory_space<vmem>>) offsets(%dma_start3A_140 : memref<128xi32, #tpu.memory_space<vmem>>) semaphore(%arg14 : memref<!tpu.dma_semaphore, #tpu.memory_space<semaphore_mem>>)
    %dma_start3A_144 = arith.constant 7 : i32
    %dma_start3A_145 = arith.constant 384 : i32
    %dma_start3A_146 = arith.constant 0 : i32
    %dma_start3A_147 = tpu.memref_slice %arg10[%dma_start3A_145, %dma_start3A_146] : memref<512x16xf32, #tpu.memory_space<vmem>> -> memref<128x16xf32, #tpu.memory_space<vmem>>
    %dma_start3A_148 = arith.constant 0 : i32
    %dma_start3A_149 = tpu.memref_slice %arg7[%dma_start3A_144, %dma_start3A_148] : memref<200x128xi32, #tpu.memory_space<vmem>> -> memref<1x128xi32, #tpu.memory_space<vmem>>
    %dma_start3A_150 = tpu.memref_squeeze %dma_start3A_149 : memref<1x128xi32, #tpu.memory_space<vmem>> -> memref<128xi32, #tpu.memory_space<vmem>>
    %dma_start3A_151 = arith.constant 0 : i32
    %dma_start3A_152 = arith.constant 0 : i32
    %dma_start3A_153 = tpu.memref_slice %arg2[%dma_start3A_151, %dma_start3A_152] : memref<50000x16xf32, #tpu.memory_space<hbm>> -> memref<50000x16xf32, #tpu.memory_space<hbm>>
    tpu.enqueue_indirect_dma source(%dma_start3A_153 : memref<50000x16xf32, #tpu.memory_space<hbm>>) target(%dma_start3A_147 : memref<128x16xf32, #tpu.memory_space<vmem>>) offsets(%dma_start3A_150 : memref<128xi32, #tpu.memory_space<vmem>>) semaphore(%arg14 : memref<!tpu.dma_semaphore, #tpu.memory_space<semaphore_mem>>)
    %dma_start3A_154 = arith.constant 7 : i32
    %dma_start3A_155 = arith.constant 384 : i32
    %dma_start3A_156 = arith.constant 0 : i32
    %dma_start3A_157 = tpu.memref_slice %arg12[%dma_start3A_155, %dma_start3A_156] : memref<512x16xf32, #tpu.memory_space<vmem>> -> memref<128x16xf32, #tpu.memory_space<vmem>>
    %dma_start3A_158 = arith.constant 0 : i32
    %dma_start3A_159 = tpu.memref_slice %arg8[%dma_start3A_154, %dma_start3A_158] : memref<200x128xi32, #tpu.memory_space<vmem>> -> memref<1x128xi32, #tpu.memory_space<vmem>>
    %dma_start3A_160 = tpu.memref_squeeze %dma_start3A_159 : memref<1x128xi32, #tpu.memory_space<vmem>> -> memref<128xi32, #tpu.memory_space<vmem>>
    %dma_start3A_161 = arith.constant 0 : i32
    %dma_start3A_162 = arith.constant 0 : i32
    %dma_start3A_163 = tpu.memref_slice %arg2[%dma_start3A_161, %dma_start3A_162] : memref<50000x16xf32, #tpu.memory_space<hbm>> -> memref<50000x16xf32, #tpu.memory_space<hbm>>
    tpu.enqueue_indirect_dma source(%dma_start3A_163 : memref<50000x16xf32, #tpu.memory_space<hbm>>) target(%dma_start3A_157 : memref<128x16xf32, #tpu.memory_space<vmem>>) offsets(%dma_start3A_160 : memref<128xi32, #tpu.memory_space<vmem>>) semaphore(%arg14 : memref<!tpu.dma_semaphore, #tpu.memory_space<semaphore_mem>>)
    %scan3A = arith.constant 0 : i32
    %scan3A_164 = arith.constant 0 : i32
    %scan3A_165 = arith.constant 24 : i32
    %scan3A_166 = arith.addi %scan3A_164, %scan3A_165 : i32
    %scan3A_167 = arith.constant 1 : i32
    scf.for %scan3A_236 = %scan3A_164 to %scan3A_166 step %scan3A_167  : i32 {
      %mul3A_237 = arith.constant 2 : i32
      %mul3A_238 = arith.muli %mul3A_237, %scan3A_236 : i32
      %add3A_239 = arith.constant 0 : i32
      %add3A_240 = arith.addi %mul3A_238, %add3A_239 : i32
      %dma_wait3A_241 = arith.constant 0 : i32
      %dma_wait3A_242 = arith.constant 0 : i32
      %dma_wait3A_243 = tpu.memref_slice %arg5[%dma_wait3A_241, %dma_wait3A_242] : memref<819200x16xf32, #tpu.memory_space<hbm>> -> memref<512x16xf32, #tpu.memory_space<hbm>>
      %dma_wait3A_244 = arith.constant 0 : i32
      %dma_wait3A_245 = arith.constant 0 : i32
      %dma_wait3A_246 = tpu.memref_slice %arg5[%dma_wait3A_244, %dma_wait3A_245] : memref<819200x16xf32, #tpu.memory_space<hbm>> -> memref<512x16xf32, #tpu.memory_space<hbm>>
      tpu.wait_dma2 semaphore(%arg13 : memref<!tpu.dma_semaphore, #tpu.memory_space<semaphore_mem>>) src(%dma_wait3A_246 : memref<512x16xf32, #tpu.memory_space<hbm>>) dst(%arg9 : memref<512x16xf32, #tpu.memory_space<vmem>>)
      %dma_wait3A_247 = arith.constant 0 : i32
      %dma_wait3A_248 = arith.constant 0 : i32
      %dma_wait3A_249 = tpu.memref_slice %arg5[%dma_wait3A_247, %dma_wait3A_248] : memref<819200x16xf32, #tpu.memory_space<hbm>> -> memref<512x16xf32, #tpu.memory_space<hbm>>
      %dma_wait3A_250 = arith.constant 0 : i32
      %dma_wait3A_251 = arith.constant 0 : i32
      %dma_wait3A_252 = tpu.memref_slice %arg5[%dma_wait3A_250, %dma_wait3A_251] : memref<819200x16xf32, #tpu.memory_space<hbm>> -> memref<512x16xf32, #tpu.memory_space<hbm>>
      tpu.wait_dma2 semaphore(%arg13 : memref<!tpu.dma_semaphore, #tpu.memory_space<semaphore_mem>>) src(%dma_wait3A_252 : memref<512x16xf32, #tpu.memory_space<hbm>>) dst(%arg11 : memref<512x16xf32, #tpu.memory_space<vmem>>)
      %mul3A_253 = arith.constant 512 : i32
      %mul3A_254 = arith.muli %add3A_240, %mul3A_253 : i32
      %add3A_255 = arith.addi %mul3A_4, %mul3A_254 : i32
      %dma_start3A_256 = arith.constant 0 : i32
      %dma_start3A_257 = tpu.memref_slice %arg5[%add3A_255, %dma_start3A_256] : memref<819200x16xf32, #tpu.memory_space<hbm>> -> memref<512x16xf32, #tpu.memory_space<hbm>>
      %dma_start3A_258 = arith.constant 0 : i32
      %dma_start3A_259 = tpu.memref_slice %arg5[%add3A_255, %dma_start3A_258] : memref<819200x16xf32, #tpu.memory_space<hbm>> -> memref<512x16xf32, #tpu.memory_space<hbm>>
      tpu.enqueue_dma source(%arg9 : memref<512x16xf32, #tpu.memory_space<vmem>>) target(%dma_start3A_259 : memref<512x16xf32, #tpu.memory_space<hbm>>) target_semaphore(%arg15 : memref<!tpu.dma_semaphore, #tpu.memory_space<semaphore_mem>>)
      %dma_start3A_260 = arith.constant 0 : i32
      %dma_start3A_261 = tpu.memref_slice %arg6[%add3A_255, %dma_start3A_260] : memref<819200x16xf32, #tpu.memory_space<hbm>> -> memref<512x16xf32, #tpu.memory_space<hbm>>
      %dma_start3A_262 = arith.constant 0 : i32
      %dma_start3A_263 = tpu.memref_slice %arg6[%add3A_255, %dma_start3A_262] : memref<819200x16xf32, #tpu.memory_space<hbm>> -> memref<512x16xf32, #tpu.memory_space<hbm>>
      tpu.enqueue_dma source(%arg11 : memref<512x16xf32, #tpu.memory_space<vmem>>) target(%dma_start3A_263 : memref<512x16xf32, #tpu.memory_space<hbm>>) target_semaphore(%arg15 : memref<!tpu.dma_semaphore, #tpu.memory_space<semaphore_mem>>)
      %dma_wait3A_264 = arith.constant 0 : i32
      %dma_wait3A_265 = arith.constant 0 : i32
      %dma_wait3A_266 = tpu.memref_slice %arg5[%dma_wait3A_264, %dma_wait3A_265] : memref<819200x16xf32, #tpu.memory_space<hbm>> -> memref<512x16xf32, #tpu.memory_space<hbm>>
      %dma_wait3A_267 = arith.constant 0 : i32
      %dma_wait3A_268 = arith.constant 0 : i32
      %dma_wait3A_269 = tpu.memref_slice %arg5[%dma_wait3A_267, %dma_wait3A_268] : memref<819200x16xf32, #tpu.memory_space<hbm>> -> memref<512x16xf32, #tpu.memory_space<hbm>>
      tpu.wait_dma2 semaphore(%arg15 : memref<!tpu.dma_semaphore, #tpu.memory_space<semaphore_mem>>) src(%dma_wait3A_269 : memref<512x16xf32, #tpu.memory_space<hbm>>) dst(%arg9 : memref<512x16xf32, #tpu.memory_space<vmem>>)
      %dma_wait3A_270 = arith.constant 0 : i32
      %dma_wait3A_271 = arith.constant 0 : i32
      %dma_wait3A_272 = tpu.memref_slice %arg5[%dma_wait3A_270, %dma_wait3A_271] : memref<819200x16xf32, #tpu.memory_space<hbm>> -> memref<512x16xf32, #tpu.memory_space<hbm>>
      %dma_wait3A_273 = arith.constant 0 : i32
      %dma_wait3A_274 = arith.constant 0 : i32
      %dma_wait3A_275 = tpu.memref_slice %arg5[%dma_wait3A_273, %dma_wait3A_274] : memref<819200x16xf32, #tpu.memory_space<hbm>> -> memref<512x16xf32, #tpu.memory_space<hbm>>
      tpu.wait_dma2 semaphore(%arg15 : memref<!tpu.dma_semaphore, #tpu.memory_space<semaphore_mem>>) src(%dma_wait3A_275 : memref<512x16xf32, #tpu.memory_space<hbm>>) dst(%arg11 : memref<512x16xf32, #tpu.memory_space<vmem>>)
      %add3A_276 = arith.constant 2 : i32
      %add3A_277 = arith.addi %add3A_240, %add3A_276 : i32
      %mul3A_278 = arith.constant 4 : i32
      %mul3A_279 = arith.muli %add3A_277, %mul3A_278 : i32
      %add3A_280 = arith.constant 0 : i32
      %add3A_281 = arith.addi %mul3A_279, %add3A_280 : i32
      %dma_start3A_282 = arith.constant 0 : i32
      %dma_start3A_283 = arith.constant 0 : i32
      %dma_start3A_284 = tpu.memref_slice %arg9[%dma_start3A_282, %dma_start3A_283] : memref<512x16xf32, #tpu.memory_space<vmem>> -> memref<128x16xf32, #tpu.memory_space<vmem>>
      %dma_start3A_285 = arith.constant 0 : i32
      %dma_start3A_286 = tpu.memref_slice %arg7[%add3A_281, %dma_start3A_285] : memref<200x128xi32, #tpu.memory_space<vmem>> -> memref<1x128xi32, #tpu.memory_space<vmem>>
      %dma_start3A_287 = tpu.memref_squeeze %dma_start3A_286 : memref<1x128xi32, #tpu.memory_space<vmem>> -> memref<128xi32, #tpu.memory_space<vmem>>
      %dma_start3A_288 = arith.constant 0 : i32
      %dma_start3A_289 = arith.constant 0 : i32
      %dma_start3A_290 = tpu.memref_slice %arg2[%dma_start3A_288, %dma_start3A_289] : memref<50000x16xf32, #tpu.memory_space<hbm>> -> memref<50000x16xf32, #tpu.memory_space<hbm>>
      tpu.enqueue_indirect_dma source(%dma_start3A_290 : memref<50000x16xf32, #tpu.memory_space<hbm>>) target(%dma_start3A_284 : memref<128x16xf32, #tpu.memory_space<vmem>>) offsets(%dma_start3A_287 : memref<128xi32, #tpu.memory_space<vmem>>) semaphore(%arg13 : memref<!tpu.dma_semaphore, #tpu.memory_space<semaphore_mem>>)
      %mul3A_291 = arith.constant 4 : i32
      %mul3A_292 = arith.muli %add3A_277, %mul3A_291 : i32
      %add3A_293 = arith.constant 0 : i32
      %add3A_294 = arith.addi %mul3A_292, %add3A_293 : i32
      %dma_start3A_295 = arith.constant 0 : i32
      %dma_start3A_296 = arith.constant 0 : i32
      %dma_start3A_297 = tpu.memref_slice %arg11[%dma_start3A_295, %dma_start3A_296] : memref<512x16xf32, #tpu.memory_space<vmem>> -> memref<128x16xf32, #tpu.memory_space<vmem>>
      %dma_start3A_298 = arith.constant 0 : i32
      %dma_start3A_299 = tpu.memref_slice %arg8[%add3A_294, %dma_start3A_298] : memref<200x128xi32, #tpu.memory_space<vmem>> -> memref<1x128xi32, #tpu.memory_space<vmem>>
      %dma_start3A_300 = tpu.memref_squeeze %dma_start3A_299 : memref<1x128xi32, #tpu.memory_space<vmem>> -> memref<128xi32, #tpu.memory_space<vmem>>
      %dma_start3A_301 = arith.constant 0 : i32
      %dma_start3A_302 = arith.constant 0 : i32
      %dma_start3A_303 = tpu.memref_slice %arg2[%dma_start3A_301, %dma_start3A_302] : memref<50000x16xf32, #tpu.memory_space<hbm>> -> memref<50000x16xf32, #tpu.memory_space<hbm>>
      tpu.enqueue_indirect_dma source(%dma_start3A_303 : memref<50000x16xf32, #tpu.memory_space<hbm>>) target(%dma_start3A_297 : memref<128x16xf32, #tpu.memory_space<vmem>>) offsets(%dma_start3A_300 : memref<128xi32, #tpu.memory_space<vmem>>) semaphore(%arg13 : memref<!tpu.dma_semaphore, #tpu.memory_space<semaphore_mem>>)
      %mul3A_304 = arith.constant 4 : i32
      %mul3A_305 = arith.muli %add3A_277, %mul3A_304 : i32
      %add3A_306 = arith.constant 1 : i32
      %add3A_307 = arith.addi %mul3A_305, %add3A_306 : i32
      %dma_start3A_308 = arith.constant 128 : i32
      %dma_start3A_309 = arith.constant 0 : i32
      %dma_start3A_310 = tpu.memref_slice %arg9[%dma_start3A_308, %dma_start3A_309] : memref<512x16xf32, #tpu.memory_space<vmem>> -> memref<128x16xf32, #tpu.memory_space<vmem>>
      %dma_start3A_311 = arith.constant 0 : i32
      %dma_start3A_312 = tpu.memref_slice %arg7[%add3A_307, %dma_start3A_311] : memref<200x128xi32, #tpu.memory_space<vmem>> -> memref<1x128xi32, #tpu.memory_space<vmem>>
      %dma_start3A_313 = tpu.memref_squeeze %dma_start3A_312 : memref<1x128xi32, #tpu.memory_space<vmem>> -> memref<128xi32, #tpu.memory_space<vmem>>
      %dma_start3A_314 = arith.constant 0 : i32
      %dma_start3A_315 = arith.constant 0 : i32
      %dma_start3A_316 = tpu.memref_slice %arg2[%dma_start3A_314, %dma_start3A_315] : memref<50000x16xf32, #tpu.memory_space<hbm>> -> memref<50000x16xf32, #tpu.memory_space<hbm>>
      tpu.enqueue_indirect_dma source(%dma_start3A_316 : memref<50000x16xf32, #tpu.memory_space<hbm>>) target(%dma_start3A_310 : memref<128x16xf32, #tpu.memory_space<vmem>>) offsets(%dma_start3A_313 : memref<128xi32, #tpu.memory_space<vmem>>) semaphore(%arg13 : memref<!tpu.dma_semaphore, #tpu.memory_space<semaphore_mem>>)
      %mul3A_317 = arith.constant 4 : i32
      %mul3A_318 = arith.muli %add3A_277, %mul3A_317 : i32
      %add3A_319 = arith.constant 1 : i32
      %add3A_320 = arith.addi %mul3A_318, %add3A_319 : i32
      %dma_start3A_321 = arith.constant 128 : i32
      %dma_start3A_322 = arith.constant 0 : i32
      %dma_start3A_323 = tpu.memref_slice %arg11[%dma_start3A_321, %dma_start3A_322] : memref<512x16xf32, #tpu.memory_space<vmem>> -> memref<128x16xf32, #tpu.memory_space<vmem>>
      %dma_start3A_324 = arith.constant 0 : i32
      %dma_start3A_325 = tpu.memref_slice %arg8[%add3A_320, %dma_start3A_324] : memref<200x128xi32, #tpu.memory_space<vmem>> -> memref<1x128xi32, #tpu.memory_space<vmem>>
      %dma_start3A_326 = tpu.memref_squeeze %dma_start3A_325 : memref<1x128xi32, #tpu.memory_space<vmem>> -> memref<128xi32, #tpu.memory_space<vmem>>
      %dma_start3A_327 = arith.constant 0 : i32
      %dma_start3A_328 = arith.constant 0 : i32
      %dma_start3A_329 = tpu.memref_slice %arg2[%dma_start3A_327, %dma_start3A_328] : memref<50000x16xf32, #tpu.memory_space<hbm>> -> memref<50000x16xf32, #tpu.memory_space<hbm>>
      tpu.enqueue_indirect_dma source(%dma_start3A_329 : memref<50000x16xf32, #tpu.memory_space<hbm>>) target(%dma_start3A_323 : memref<128x16xf32, #tpu.memory_space<vmem>>) offsets(%dma_start3A_326 : memref<128xi32, #tpu.memory_space<vmem>>) semaphore(%arg13 : memref<!tpu.dma_semaphore, #tpu.memory_space<semaphore_mem>>)
      %mul3A_330 = arith.constant 4 : i32
      %mul3A_331 = arith.muli %add3A_277, %mul3A_330 : i32
      %add3A_332 = arith.constant 2 : i32
      %add3A_333 = arith.addi %mul3A_331, %add3A_332 : i32
      %dma_start3A_334 = arith.constant 256 : i32
      %dma_start3A_335 = arith.constant 0 : i32
      %dma_start3A_336 = tpu.memref_slice %arg9[%dma_start3A_334, %dma_start3A_335] : memref<512x16xf32, #tpu.memory_space<vmem>> -> memref<128x16xf32, #tpu.memory_space<vmem>>
      %dma_start3A_337 = arith.constant 0 : i32
      %dma_start3A_338 = tpu.memref_slice %arg7[%add3A_333, %dma_start3A_337] : memref<200x128xi32, #tpu.memory_space<vmem>> -> memref<1x128xi32, #tpu.memory_space<vmem>>
      %dma_start3A_339 = tpu.memref_squeeze %dma_start3A_338 : memref<1x128xi32, #tpu.memory_space<vmem>> -> memref<128xi32, #tpu.memory_space<vmem>>
      %dma_start3A_340 = arith.constant 0 : i32
      %dma_start3A_341 = arith.constant 0 : i32
      %dma_start3A_342 = tpu.memref_slice %arg2[%dma_start3A_340, %dma_start3A_341] : memref<50000x16xf32, #tpu.memory_space<hbm>> -> memref<50000x16xf32, #tpu.memory_space<hbm>>
      tpu.enqueue_indirect_dma source(%dma_start3A_342 : memref<50000x16xf32, #tpu.memory_space<hbm>>) target(%dma_start3A_336 : memref<128x16xf32, #tpu.memory_space<vmem>>) offsets(%dma_start3A_339 : memref<128xi32, #tpu.memory_space<vmem>>) semaphore(%arg13 : memref<!tpu.dma_semaphore, #tpu.memory_space<semaphore_mem>>)
      %mul3A_343 = arith.constant 4 : i32
      %mul3A_344 = arith.muli %add3A_277, %mul3A_343 : i32
      %add3A_345 = arith.constant 2 : i32
      %add3A_346 = arith.addi %mul3A_344, %add3A_345 : i32
      %dma_start3A_347 = arith.constant 256 : i32
      %dma_start3A_348 = arith.constant 0 : i32
      %dma_start3A_349 = tpu.memref_slice %arg11[%dma_start3A_347, %dma_start3A_348] : memref<512x16xf32, #tpu.memory_space<vmem>> -> memref<128x16xf32, #tpu.memory_space<vmem>>
      %dma_start3A_350 = arith.constant 0 : i32
      %dma_start3A_351 = tpu.memref_slice %arg8[%add3A_346, %dma_start3A_350] : memref<200x128xi32, #tpu.memory_space<vmem>> -> memref<1x128xi32, #tpu.memory_space<vmem>>
      %dma_start3A_352 = tpu.memref_squeeze %dma_start3A_351 : memref<1x128xi32, #tpu.memory_space<vmem>> -> memref<128xi32, #tpu.memory_space<vmem>>
      %dma_start3A_353 = arith.constant 0 : i32
      %dma_start3A_354 = arith.constant 0 : i32
      %dma_start3A_355 = tpu.memref_slice %arg2[%dma_start3A_353, %dma_start3A_354] : memref<50000x16xf32, #tpu.memory_space<hbm>> -> memref<50000x16xf32, #tpu.memory_space<hbm>>
      tpu.enqueue_indirect_dma source(%dma_start3A_355 : memref<50000x16xf32, #tpu.memory_space<hbm>>) target(%dma_start3A_349 : memref<128x16xf32, #tpu.memory_space<vmem>>) offsets(%dma_start3A_352 : memref<128xi32, #tpu.memory_space<vmem>>) semaphore(%arg13 : memref<!tpu.dma_semaphore, #tpu.memory_space<semaphore_mem>>)
      %mul3A_356 = arith.constant 4 : i32
      %mul3A_357 = arith.muli %add3A_277, %mul3A_356 : i32
      %add3A_358 = arith.constant 3 : i32
      %add3A_359 = arith.addi %mul3A_357, %add3A_358 : i32
      %dma_start3A_360 = arith.constant 384 : i32
      %dma_start3A_361 = arith.constant 0 : i32
      %dma_start3A_362 = tpu.memref_slice %arg9[%dma_start3A_360, %dma_start3A_361] : memref<512x16xf32, #tpu.memory_space<vmem>> -> memref<128x16xf32, #tpu.memory_space<vmem>>
      %dma_start3A_363 = arith.constant 0 : i32
      %dma_start3A_364 = tpu.memref_slice %arg7[%add3A_359, %dma_start3A_363] : memref<200x128xi32, #tpu.memory_space<vmem>> -> memref<1x128xi32, #tpu.memory_space<vmem>>
      %dma_start3A_365 = tpu.memref_squeeze %dma_start3A_364 : memref<1x128xi32, #tpu.memory_space<vmem>> -> memref<128xi32, #tpu.memory_space<vmem>>
      %dma_start3A_366 = arith.constant 0 : i32
      %dma_start3A_367 = arith.constant 0 : i32
      %dma_start3A_368 = tpu.memref_slice %arg2[%dma_start3A_366, %dma_start3A_367] : memref<50000x16xf32, #tpu.memory_space<hbm>> -> memref<50000x16xf32, #tpu.memory_space<hbm>>
      tpu.enqueue_indirect_dma source(%dma_start3A_368 : memref<50000x16xf32, #tpu.memory_space<hbm>>) target(%dma_start3A_362 : memref<128x16xf32, #tpu.memory_space<vmem>>) offsets(%dma_start3A_365 : memref<128xi32, #tpu.memory_space<vmem>>) semaphore(%arg13 : memref<!tpu.dma_semaphore, #tpu.memory_space<semaphore_mem>>)
      %mul3A_369 = arith.constant 4 : i32
      %mul3A_370 = arith.muli %add3A_277, %mul3A_369 : i32
      %add3A_371 = arith.constant 3 : i32
      %add3A_372 = arith.addi %mul3A_370, %add3A_371 : i32
      %dma_start3A_373 = arith.constant 384 : i32
      %dma_start3A_374 = arith.constant 0 : i32
      %dma_start3A_375 = tpu.memref_slice %arg11[%dma_start3A_373, %dma_start3A_374] : memref<512x16xf32, #tpu.memory_space<vmem>> -> memref<128x16xf32, #tpu.memory_space<vmem>>
      %dma_start3A_376 = arith.constant 0 : i32
      %dma_start3A_377 = tpu.memref_slice %arg8[%add3A_372, %dma_start3A_376] : memref<200x128xi32, #tpu.memory_space<vmem>> -> memref<1x128xi32, #tpu.memory_space<vmem>>
      %dma_start3A_378 = tpu.memref_squeeze %dma_start3A_377 : memref<1x128xi32, #tpu.memory_space<vmem>> -> memref<128xi32, #tpu.memory_space<vmem>>
      %dma_start3A_379 = arith.constant 0 : i32
      %dma_start3A_380 = arith.constant 0 : i32
      %dma_start3A_381 = tpu.memref_slice %arg2[%dma_start3A_379, %dma_start3A_380] : memref<50000x16xf32, #tpu.memory_space<hbm>> -> memref<50000x16xf32, #tpu.memory_space<hbm>>
      tpu.enqueue_indirect_dma source(%dma_start3A_381 : memref<50000x16xf32, #tpu.memory_space<hbm>>) target(%dma_start3A_375 : memref<128x16xf32, #tpu.memory_space<vmem>>) offsets(%dma_start3A_378 : memref<128xi32, #tpu.memory_space<vmem>>) semaphore(%arg13 : memref<!tpu.dma_semaphore, #tpu.memory_space<semaphore_mem>>)
      %mul3A_382 = arith.constant 2 : i32
      %mul3A_383 = arith.muli %mul3A_382, %scan3A_236 : i32
      %add3A_384 = arith.constant 1 : i32
      %add3A_385 = arith.addi %mul3A_383, %add3A_384 : i32
      %dma_wait3A_386 = arith.constant 0 : i32
      %dma_wait3A_387 = arith.constant 0 : i32
      %dma_wait3A_388 = tpu.memref_slice %arg5[%dma_wait3A_386, %dma_wait3A_387] : memref<819200x16xf32, #tpu.memory_space<hbm>> -> memref<512x16xf32, #tpu.memory_space<hbm>>
      %dma_wait3A_389 = arith.constant 0 : i32
      %dma_wait3A_390 = arith.constant 0 : i32
      %dma_wait3A_391 = tpu.memref_slice %arg5[%dma_wait3A_389, %dma_wait3A_390] : memref<819200x16xf32, #tpu.memory_space<hbm>> -> memref<512x16xf32, #tpu.memory_space<hbm>>
      tpu.wait_dma2 semaphore(%arg14 : memref<!tpu.dma_semaphore, #tpu.memory_space<semaphore_mem>>) src(%dma_wait3A_391 : memref<512x16xf32, #tpu.memory_space<hbm>>) dst(%arg10 : memref<512x16xf32, #tpu.memory_space<vmem>>)
      %dma_wait3A_392 = arith.constant 0 : i32
      %dma_wait3A_393 = arith.constant 0 : i32
      %dma_wait3A_394 = tpu.memref_slice %arg5[%dma_wait3A_392, %dma_wait3A_393] : memref<819200x16xf32, #tpu.memory_space<hbm>> -> memref<512x16xf32, #tpu.memory_space<hbm>>
      %dma_wait3A_395 = arith.constant 0 : i32
      %dma_wait3A_396 = arith.constant 0 : i32
      %dma_wait3A_397 = tpu.memref_slice %arg5[%dma_wait3A_395, %dma_wait3A_396] : memref<819200x16xf32, #tpu.memory_space<hbm>> -> memref<512x16xf32, #tpu.memory_space<hbm>>
      tpu.wait_dma2 semaphore(%arg14 : memref<!tpu.dma_semaphore, #tpu.memory_space<semaphore_mem>>) src(%dma_wait3A_397 : memref<512x16xf32, #tpu.memory_space<hbm>>) dst(%arg12 : memref<512x16xf32, #tpu.memory_space<vmem>>)
      %mul3A_398 = arith.constant 512 : i32
      %mul3A_399 = arith.muli %add3A_385, %mul3A_398 : i32
      %add3A_400 = arith.addi %mul3A_4, %mul3A_399 : i32
      %dma_start3A_401 = arith.constant 0 : i32
      %dma_start3A_402 = tpu.memref_slice %arg5[%add3A_400, %dma_start3A_401] : memref<819200x16xf32, #tpu.memory_space<hbm>> -> memref<512x16xf32, #tpu.memory_space<hbm>>
      %dma_start3A_403 = arith.constant 0 : i32
      %dma_start3A_404 = tpu.memref_slice %arg5[%add3A_400, %dma_start3A_403] : memref<819200x16xf32, #tpu.memory_space<hbm>> -> memref<512x16xf32, #tpu.memory_space<hbm>>
      tpu.enqueue_dma source(%arg10 : memref<512x16xf32, #tpu.memory_space<vmem>>) target(%dma_start3A_404 : memref<512x16xf32, #tpu.memory_space<hbm>>) target_semaphore(%arg16 : memref<!tpu.dma_semaphore, #tpu.memory_space<semaphore_mem>>)
      %dma_start3A_405 = arith.constant 0 : i32
      %dma_start3A_406 = tpu.memref_slice %arg6[%add3A_400, %dma_start3A_405] : memref<819200x16xf32, #tpu.memory_space<hbm>> -> memref<512x16xf32, #tpu.memory_space<hbm>>
      %dma_start3A_407 = arith.constant 0 : i32
      %dma_start3A_408 = tpu.memref_slice %arg6[%add3A_400, %dma_start3A_407] : memref<819200x16xf32, #tpu.memory_space<hbm>> -> memref<512x16xf32, #tpu.memory_space<hbm>>
      tpu.enqueue_dma source(%arg12 : memref<512x16xf32, #tpu.memory_space<vmem>>) target(%dma_start3A_408 : memref<512x16xf32, #tpu.memory_space<hbm>>) target_semaphore(%arg16 : memref<!tpu.dma_semaphore, #tpu.memory_space<semaphore_mem>>)
      %dma_wait3A_409 = arith.constant 0 : i32
      %dma_wait3A_410 = arith.constant 0 : i32
      %dma_wait3A_411 = tpu.memref_slice %arg5[%dma_wait3A_409, %dma_wait3A_410] : memref<819200x16xf32, #tpu.memory_space<hbm>> -> memref<512x16xf32, #tpu.memory_space<hbm>>
      %dma_wait3A_412 = arith.constant 0 : i32
      %dma_wait3A_413 = arith.constant 0 : i32
      %dma_wait3A_414 = tpu.memref_slice %arg5[%dma_wait3A_412, %dma_wait3A_413] : memref<819200x16xf32, #tpu.memory_space<hbm>> -> memref<512x16xf32, #tpu.memory_space<hbm>>
      tpu.wait_dma2 semaphore(%arg16 : memref<!tpu.dma_semaphore, #tpu.memory_space<semaphore_mem>>) src(%dma_wait3A_414 : memref<512x16xf32, #tpu.memory_space<hbm>>) dst(%arg10 : memref<512x16xf32, #tpu.memory_space<vmem>>)
      %dma_wait3A_415 = arith.constant 0 : i32
      %dma_wait3A_416 = arith.constant 0 : i32
      %dma_wait3A_417 = tpu.memref_slice %arg5[%dma_wait3A_415, %dma_wait3A_416] : memref<819200x16xf32, #tpu.memory_space<hbm>> -> memref<512x16xf32, #tpu.memory_space<hbm>>
      %dma_wait3A_418 = arith.constant 0 : i32
      %dma_wait3A_419 = arith.constant 0 : i32
      %dma_wait3A_420 = tpu.memref_slice %arg5[%dma_wait3A_418, %dma_wait3A_419] : memref<819200x16xf32, #tpu.memory_space<hbm>> -> memref<512x16xf32, #tpu.memory_space<hbm>>
      tpu.wait_dma2 semaphore(%arg16 : memref<!tpu.dma_semaphore, #tpu.memory_space<semaphore_mem>>) src(%dma_wait3A_420 : memref<512x16xf32, #tpu.memory_space<hbm>>) dst(%arg12 : memref<512x16xf32, #tpu.memory_space<vmem>>)
      %add3A_421 = arith.constant 2 : i32
      %add3A_422 = arith.addi %add3A_385, %add3A_421 : i32
      %mul3A_423 = arith.constant 4 : i32
      %mul3A_424 = arith.muli %add3A_422, %mul3A_423 : i32
      %add3A_425 = arith.constant 0 : i32
      %add3A_426 = arith.addi %mul3A_424, %add3A_425 : i32
      %dma_start3A_427 = arith.constant 0 : i32
      %dma_start3A_428 = arith.constant 0 : i32
      %dma_start3A_429 = tpu.memref_slice %arg10[%dma_start3A_427, %dma_start3A_428] : memref<512x16xf32, #tpu.memory_space<vmem>> -> memref<128x16xf32, #tpu.memory_space<vmem>>
      %dma_start3A_430 = arith.constant 0 : i32
      %dma_start3A_431 = tpu.memref_slice %arg7[%add3A_426, %dma_start3A_430] : memref<200x128xi32, #tpu.memory_space<vmem>> -> memref<1x128xi32, #tpu.memory_space<vmem>>
      %dma_start3A_432 = tpu.memref_squeeze %dma_start3A_431 : memref<1x128xi32, #tpu.memory_space<vmem>> -> memref<128xi32, #tpu.memory_space<vmem>>
      %dma_start3A_433 = arith.constant 0 : i32
      %dma_start3A_434 = arith.constant 0 : i32
      %dma_start3A_435 = tpu.memref_slice %arg2[%dma_start3A_433, %dma_start3A_434] : memref<50000x16xf32, #tpu.memory_space<hbm>> -> memref<50000x16xf32, #tpu.memory_space<hbm>>
      tpu.enqueue_indirect_dma source(%dma_start3A_435 : memref<50000x16xf32, #tpu.memory_space<hbm>>) target(%dma_start3A_429 : memref<128x16xf32, #tpu.memory_space<vmem>>) offsets(%dma_start3A_432 : memref<128xi32, #tpu.memory_space<vmem>>) semaphore(%arg14 : memref<!tpu.dma_semaphore, #tpu.memory_space<semaphore_mem>>)
      %mul3A_436 = arith.constant 4 : i32
      %mul3A_437 = arith.muli %add3A_422, %mul3A_436 : i32
      %add3A_438 = arith.constant 0 : i32
      %add3A_439 = arith.addi %mul3A_437, %add3A_438 : i32
      %dma_start3A_440 = arith.constant 0 : i32
      %dma_start3A_441 = arith.constant 0 : i32
      %dma_start3A_442 = tpu.memref_slice %arg12[%dma_start3A_440, %dma_start3A_441] : memref<512x16xf32, #tpu.memory_space<vmem>> -> memref<128x16xf32, #tpu.memory_space<vmem>>
      %dma_start3A_443 = arith.constant 0 : i32
      %dma_start3A_444 = tpu.memref_slice %arg8[%add3A_439, %dma_start3A_443] : memref<200x128xi32, #tpu.memory_space<vmem>> -> memref<1x128xi32, #tpu.memory_space<vmem>>
      %dma_start3A_445 = tpu.memref_squeeze %dma_start3A_444 : memref<1x128xi32, #tpu.memory_space<vmem>> -> memref<128xi32, #tpu.memory_space<vmem>>
      %dma_start3A_446 = arith.constant 0 : i32
      %dma_start3A_447 = arith.constant 0 : i32
      %dma_start3A_448 = tpu.memref_slice %arg2[%dma_start3A_446, %dma_start3A_447] : memref<50000x16xf32, #tpu.memory_space<hbm>> -> memref<50000x16xf32, #tpu.memory_space<hbm>>
      tpu.enqueue_indirect_dma source(%dma_start3A_448 : memref<50000x16xf32, #tpu.memory_space<hbm>>) target(%dma_start3A_442 : memref<128x16xf32, #tpu.memory_space<vmem>>) offsets(%dma_start3A_445 : memref<128xi32, #tpu.memory_space<vmem>>) semaphore(%arg14 : memref<!tpu.dma_semaphore, #tpu.memory_space<semaphore_mem>>)
      %mul3A_449 = arith.constant 4 : i32
      %mul3A_450 = arith.muli %add3A_422, %mul3A_449 : i32
      %add3A_451 = arith.constant 1 : i32
      %add3A_452 = arith.addi %mul3A_450, %add3A_451 : i32
      %dma_start3A_453 = arith.constant 128 : i32
      %dma_start3A_454 = arith.constant 0 : i32
      %dma_start3A_455 = tpu.memref_slice %arg10[%dma_start3A_453, %dma_start3A_454] : memref<512x16xf32, #tpu.memory_space<vmem>> -> memref<128x16xf32, #tpu.memory_space<vmem>>
      %dma_start3A_456 = arith.constant 0 : i32
      %dma_start3A_457 = tpu.memref_slice %arg7[%add3A_452, %dma_start3A_456] : memref<200x128xi32, #tpu.memory_space<vmem>> -> memref<1x128xi32, #tpu.memory_space<vmem>>
      %dma_start3A_458 = tpu.memref_squeeze %dma_start3A_457 : memref<1x128xi32, #tpu.memory_space<vmem>> -> memref<128xi32, #tpu.memory_space<vmem>>
      %dma_start3A_459 = arith.constant 0 : i32
      %dma_start3A_460 = arith.constant 0 : i32
      %dma_start3A_461 = tpu.memref_slice %arg2[%dma_start3A_459, %dma_start3A_460] : memref<50000x16xf32, #tpu.memory_space<hbm>> -> memref<50000x16xf32, #tpu.memory_space<hbm>>
      tpu.enqueue_indirect_dma source(%dma_start3A_461 : memref<50000x16xf32, #tpu.memory_space<hbm>>) target(%dma_start3A_455 : memref<128x16xf32, #tpu.memory_space<vmem>>) offsets(%dma_start3A_458 : memref<128xi32, #tpu.memory_space<vmem>>) semaphore(%arg14 : memref<!tpu.dma_semaphore, #tpu.memory_space<semaphore_mem>>)
      %mul3A_462 = arith.constant 4 : i32
      %mul3A_463 = arith.muli %add3A_422, %mul3A_462 : i32
      %add3A_464 = arith.constant 1 : i32
      %add3A_465 = arith.addi %mul3A_463, %add3A_464 : i32
      %dma_start3A_466 = arith.constant 128 : i32
      %dma_start3A_467 = arith.constant 0 : i32
      %dma_start3A_468 = tpu.memref_slice %arg12[%dma_start3A_466, %dma_start3A_467] : memref<512x16xf32, #tpu.memory_space<vmem>> -> memref<128x16xf32, #tpu.memory_space<vmem>>
      %dma_start3A_469 = arith.constant 0 : i32
      %dma_start3A_470 = tpu.memref_slice %arg8[%add3A_465, %dma_start3A_469] : memref<200x128xi32, #tpu.memory_space<vmem>> -> memref<1x128xi32, #tpu.memory_space<vmem>>
      %dma_start3A_471 = tpu.memref_squeeze %dma_start3A_470 : memref<1x128xi32, #tpu.memory_space<vmem>> -> memref<128xi32, #tpu.memory_space<vmem>>
      %dma_start3A_472 = arith.constant 0 : i32
      %dma_start3A_473 = arith.constant 0 : i32
      %dma_start3A_474 = tpu.memref_slice %arg2[%dma_start3A_472, %dma_start3A_473] : memref<50000x16xf32, #tpu.memory_space<hbm>> -> memref<50000x16xf32, #tpu.memory_space<hbm>>
      tpu.enqueue_indirect_dma source(%dma_start3A_474 : memref<50000x16xf32, #tpu.memory_space<hbm>>) target(%dma_start3A_468 : memref<128x16xf32, #tpu.memory_space<vmem>>) offsets(%dma_start3A_471 : memref<128xi32, #tpu.memory_space<vmem>>) semaphore(%arg14 : memref<!tpu.dma_semaphore, #tpu.memory_space<semaphore_mem>>)
      %mul3A_475 = arith.constant 4 : i32
      %mul3A_476 = arith.muli %add3A_422, %mul3A_475 : i32
      %add3A_477 = arith.constant 2 : i32
      %add3A_478 = arith.addi %mul3A_476, %add3A_477 : i32
      %dma_start3A_479 = arith.constant 256 : i32
      %dma_start3A_480 = arith.constant 0 : i32
      %dma_start3A_481 = tpu.memref_slice %arg10[%dma_start3A_479, %dma_start3A_480] : memref<512x16xf32, #tpu.memory_space<vmem>> -> memref<128x16xf32, #tpu.memory_space<vmem>>
      %dma_start3A_482 = arith.constant 0 : i32
      %dma_start3A_483 = tpu.memref_slice %arg7[%add3A_478, %dma_start3A_482] : memref<200x128xi32, #tpu.memory_space<vmem>> -> memref<1x128xi32, #tpu.memory_space<vmem>>
      %dma_start3A_484 = tpu.memref_squeeze %dma_start3A_483 : memref<1x128xi32, #tpu.memory_space<vmem>> -> memref<128xi32, #tpu.memory_space<vmem>>
      %dma_start3A_485 = arith.constant 0 : i32
      %dma_start3A_486 = arith.constant 0 : i32
      %dma_start3A_487 = tpu.memref_slice %arg2[%dma_start3A_485, %dma_start3A_486] : memref<50000x16xf32, #tpu.memory_space<hbm>> -> memref<50000x16xf32, #tpu.memory_space<hbm>>
      tpu.enqueue_indirect_dma source(%dma_start3A_487 : memref<50000x16xf32, #tpu.memory_space<hbm>>) target(%dma_start3A_481 : memref<128x16xf32, #tpu.memory_space<vmem>>) offsets(%dma_start3A_484 : memref<128xi32, #tpu.memory_space<vmem>>) semaphore(%arg14 : memref<!tpu.dma_semaphore, #tpu.memory_space<semaphore_mem>>)
      %mul3A_488 = arith.constant 4 : i32
      %mul3A_489 = arith.muli %add3A_422, %mul3A_488 : i32
      %add3A_490 = arith.constant 2 : i32
      %add3A_491 = arith.addi %mul3A_489, %add3A_490 : i32
      %dma_start3A_492 = arith.constant 256 : i32
      %dma_start3A_493 = arith.constant 0 : i32
      %dma_start3A_494 = tpu.memref_slice %arg12[%dma_start3A_492, %dma_start3A_493] : memref<512x16xf32, #tpu.memory_space<vmem>> -> memref<128x16xf32, #tpu.memory_space<vmem>>
      %dma_start3A_495 = arith.constant 0 : i32
      %dma_start3A_496 = tpu.memref_slice %arg8[%add3A_491, %dma_start3A_495] : memref<200x128xi32, #tpu.memory_space<vmem>> -> memref<1x128xi32, #tpu.memory_space<vmem>>
      %dma_start3A_497 = tpu.memref_squeeze %dma_start3A_496 : memref<1x128xi32, #tpu.memory_space<vmem>> -> memref<128xi32, #tpu.memory_space<vmem>>
      %dma_start3A_498 = arith.constant 0 : i32
      %dma_start3A_499 = arith.constant 0 : i32
      %dma_start3A_500 = tpu.memref_slice %arg2[%dma_start3A_498, %dma_start3A_499] : memref<50000x16xf32, #tpu.memory_space<hbm>> -> memref<50000x16xf32, #tpu.memory_space<hbm>>
      tpu.enqueue_indirect_dma source(%dma_start3A_500 : memref<50000x16xf32, #tpu.memory_space<hbm>>) target(%dma_start3A_494 : memref<128x16xf32, #tpu.memory_space<vmem>>) offsets(%dma_start3A_497 : memref<128xi32, #tpu.memory_space<vmem>>) semaphore(%arg14 : memref<!tpu.dma_semaphore, #tpu.memory_space<semaphore_mem>>)
      %mul3A_501 = arith.constant 4 : i32
      %mul3A_502 = arith.muli %add3A_422, %mul3A_501 : i32
      %add3A_503 = arith.constant 3 : i32
      %add3A_504 = arith.addi %mul3A_502, %add3A_503 : i32
      %dma_start3A_505 = arith.constant 384 : i32
      %dma_start3A_506 = arith.constant 0 : i32
      %dma_start3A_507 = tpu.memref_slice %arg10[%dma_start3A_505, %dma_start3A_506] : memref<512x16xf32, #tpu.memory_space<vmem>> -> memref<128x16xf32, #tpu.memory_space<vmem>>
      %dma_start3A_508 = arith.constant 0 : i32
      %dma_start3A_509 = tpu.memref_slice %arg7[%add3A_504, %dma_start3A_508] : memref<200x128xi32, #tpu.memory_space<vmem>> -> memref<1x128xi32, #tpu.memory_space<vmem>>
      %dma_start3A_510 = tpu.memref_squeeze %dma_start3A_509 : memref<1x128xi32, #tpu.memory_space<vmem>> -> memref<128xi32, #tpu.memory_space<vmem>>
      %dma_start3A_511 = arith.constant 0 : i32
      %dma_start3A_512 = arith.constant 0 : i32
      %dma_start3A_513 = tpu.memref_slice %arg2[%dma_start3A_511, %dma_start3A_512] : memref<50000x16xf32, #tpu.memory_space<hbm>> -> memref<50000x16xf32, #tpu.memory_space<hbm>>
      tpu.enqueue_indirect_dma source(%dma_start3A_513 : memref<50000x16xf32, #tpu.memory_space<hbm>>) target(%dma_start3A_507 : memref<128x16xf32, #tpu.memory_space<vmem>>) offsets(%dma_start3A_510 : memref<128xi32, #tpu.memory_space<vmem>>) semaphore(%arg14 : memref<!tpu.dma_semaphore, #tpu.memory_space<semaphore_mem>>)
      %mul3A_514 = arith.constant 4 : i32
      %mul3A_515 = arith.muli %add3A_422, %mul3A_514 : i32
      %add3A_516 = arith.constant 3 : i32
      %add3A_517 = arith.addi %mul3A_515, %add3A_516 : i32
      %dma_start3A_518 = arith.constant 384 : i32
      %dma_start3A_519 = arith.constant 0 : i32
      %dma_start3A_520 = tpu.memref_slice %arg12[%dma_start3A_518, %dma_start3A_519] : memref<512x16xf32, #tpu.memory_space<vmem>> -> memref<128x16xf32, #tpu.memory_space<vmem>>
      %dma_start3A_521 = arith.constant 0 : i32
      %dma_start3A_522 = tpu.memref_slice %arg8[%add3A_517, %dma_start3A_521] : memref<200x128xi32, #tpu.memory_space<vmem>> -> memref<1x128xi32, #tpu.memory_space<vmem>>
      %dma_start3A_523 = tpu.memref_squeeze %dma_start3A_522 : memref<1x128xi32, #tpu.memory_space<vmem>> -> memref<128xi32, #tpu.memory_space<vmem>>
      %dma_start3A_524 = arith.constant 0 : i32
      %dma_start3A_525 = arith.constant 0 : i32
      %dma_start3A_526 = tpu.memref_slice %arg2[%dma_start3A_524, %dma_start3A_525] : memref<50000x16xf32, #tpu.memory_space<hbm>> -> memref<50000x16xf32, #tpu.memory_space<hbm>>
      tpu.enqueue_indirect_dma source(%dma_start3A_526 : memref<50000x16xf32, #tpu.memory_space<hbm>>) target(%dma_start3A_520 : memref<128x16xf32, #tpu.memory_space<vmem>>) offsets(%dma_start3A_523 : memref<128xi32, #tpu.memory_space<vmem>>) semaphore(%arg14 : memref<!tpu.dma_semaphore, #tpu.memory_space<semaphore_mem>>)
    }
    %scan3A_168 = arith.constant 24 : i32
    %dma_wait3A = arith.constant 0 : i32
    %dma_wait3A_169 = arith.constant 0 : i32
    %dma_wait3A_170 = tpu.memref_slice %arg5[%dma_wait3A, %dma_wait3A_169] : memref<819200x16xf32, #tpu.memory_space<hbm>> -> memref<512x16xf32, #tpu.memory_space<hbm>>
    %dma_wait3A_171 = arith.constant 0 : i32
    %dma_wait3A_172 = arith.constant 0 : i32
    %dma_wait3A_173 = tpu.memref_slice %arg5[%dma_wait3A_171, %dma_wait3A_172] : memref<819200x16xf32, #tpu.memory_space<hbm>> -> memref<512x16xf32, #tpu.memory_space<hbm>>
    tpu.wait_dma2 semaphore(%arg13 : memref<!tpu.dma_semaphore, #tpu.memory_space<semaphore_mem>>) src(%dma_wait3A_173 : memref<512x16xf32, #tpu.memory_space<hbm>>) dst(%arg9 : memref<512x16xf32, #tpu.memory_space<vmem>>)
    %dma_wait3A_174 = arith.constant 0 : i32
    %dma_wait3A_175 = arith.constant 0 : i32
    %dma_wait3A_176 = tpu.memref_slice %arg5[%dma_wait3A_174, %dma_wait3A_175] : memref<819200x16xf32, #tpu.memory_space<hbm>> -> memref<512x16xf32, #tpu.memory_space<hbm>>
    %dma_wait3A_177 = arith.constant 0 : i32
    %dma_wait3A_178 = arith.constant 0 : i32
    %dma_wait3A_179 = tpu.memref_slice %arg5[%dma_wait3A_177, %dma_wait3A_178] : memref<819200x16xf32, #tpu.memory_space<hbm>> -> memref<512x16xf32, #tpu.memory_space<hbm>>
    tpu.wait_dma2 semaphore(%arg13 : memref<!tpu.dma_semaphore, #tpu.memory_space<semaphore_mem>>) src(%dma_wait3A_179 : memref<512x16xf32, #tpu.memory_space<hbm>>) dst(%arg11 : memref<512x16xf32, #tpu.memory_space<vmem>>)
    %add3A_180 = arith.constant 24576 : i32
    %add3A_181 = arith.addi %mul3A_4, %add3A_180 : i32
    %dma_start3A_182 = arith.constant 0 : i32
    %dma_start3A_183 = tpu.memref_slice %arg5[%add3A_181, %dma_start3A_182] : memref<819200x16xf32, #tpu.memory_space<hbm>> -> memref<512x16xf32, #tpu.memory_space<hbm>>
    %dma_start3A_184 = arith.constant 0 : i32
    %dma_start3A_185 = tpu.memref_slice %arg5[%add3A_181, %dma_start3A_184] : memref<819200x16xf32, #tpu.memory_space<hbm>> -> memref<512x16xf32, #tpu.memory_space<hbm>>
    tpu.enqueue_dma source(%arg9 : memref<512x16xf32, #tpu.memory_space<vmem>>) target(%dma_start3A_185 : memref<512x16xf32, #tpu.memory_space<hbm>>) target_semaphore(%arg15 : memref<!tpu.dma_semaphore, #tpu.memory_space<semaphore_mem>>)
    %dma_start3A_186 = arith.constant 0 : i32
    %dma_start3A_187 = tpu.memref_slice %arg6[%add3A_181, %dma_start3A_186] : memref<819200x16xf32, #tpu.memory_space<hbm>> -> memref<512x16xf32, #tpu.memory_space<hbm>>
    %dma_start3A_188 = arith.constant 0 : i32
    %dma_start3A_189 = tpu.memref_slice %arg6[%add3A_181, %dma_start3A_188] : memref<819200x16xf32, #tpu.memory_space<hbm>> -> memref<512x16xf32, #tpu.memory_space<hbm>>
    tpu.enqueue_dma source(%arg11 : memref<512x16xf32, #tpu.memory_space<vmem>>) target(%dma_start3A_189 : memref<512x16xf32, #tpu.memory_space<hbm>>) target_semaphore(%arg15 : memref<!tpu.dma_semaphore, #tpu.memory_space<semaphore_mem>>)
    %dma_wait3A_190 = arith.constant 0 : i32
    %dma_wait3A_191 = arith.constant 0 : i32
    %dma_wait3A_192 = tpu.memref_slice %arg5[%dma_wait3A_190, %dma_wait3A_191] : memref<819200x16xf32, #tpu.memory_space<hbm>> -> memref<512x16xf32, #tpu.memory_space<hbm>>
    %dma_wait3A_193 = arith.constant 0 : i32
    %dma_wait3A_194 = arith.constant 0 : i32
    %dma_wait3A_195 = tpu.memref_slice %arg5[%dma_wait3A_193, %dma_wait3A_194] : memref<819200x16xf32, #tpu.memory_space<hbm>> -> memref<512x16xf32, #tpu.memory_space<hbm>>
    tpu.wait_dma2 semaphore(%arg14 : memref<!tpu.dma_semaphore, #tpu.memory_space<semaphore_mem>>) src(%dma_wait3A_195 : memref<512x16xf32, #tpu.memory_space<hbm>>) dst(%arg10 : memref<512x16xf32, #tpu.memory_space<vmem>>)
    %dma_wait3A_196 = arith.constant 0 : i32
    %dma_wait3A_197 = arith.constant 0 : i32
    %dma_wait3A_198 = tpu.memref_slice %arg5[%dma_wait3A_196, %dma_wait3A_197] : memref<819200x16xf32, #tpu.memory_space<hbm>> -> memref<512x16xf32, #tpu.memory_space<hbm>>
    %dma_wait3A_199 = arith.constant 0 : i32
    %dma_wait3A_200 = arith.constant 0 : i32
    %dma_wait3A_201 = tpu.memref_slice %arg5[%dma_wait3A_199, %dma_wait3A_200] : memref<819200x16xf32, #tpu.memory_space<hbm>> -> memref<512x16xf32, #tpu.memory_space<hbm>>
    tpu.wait_dma2 semaphore(%arg14 : memref<!tpu.dma_semaphore, #tpu.memory_space<semaphore_mem>>) src(%dma_wait3A_201 : memref<512x16xf32, #tpu.memory_space<hbm>>) dst(%arg12 : memref<512x16xf32, #tpu.memory_space<vmem>>)
    %add3A_202 = arith.constant 25088 : i32
    %add3A_203 = arith.addi %mul3A_4, %add3A_202 : i32
    %dma_start3A_204 = arith.constant 0 : i32
    %dma_start3A_205 = tpu.memref_slice %arg5[%add3A_203, %dma_start3A_204] : memref<819200x16xf32, #tpu.memory_space<hbm>> -> memref<512x16xf32, #tpu.memory_space<hbm>>
    %dma_start3A_206 = arith.constant 0 : i32
    %dma_start3A_207 = tpu.memref_slice %arg5[%add3A_203, %dma_start3A_206] : memref<819200x16xf32, #tpu.memory_space<hbm>> -> memref<512x16xf32, #tpu.memory_space<hbm>>
    tpu.enqueue_dma source(%arg10 : memref<512x16xf32, #tpu.memory_space<vmem>>) target(%dma_start3A_207 : memref<512x16xf32, #tpu.memory_space<hbm>>) target_semaphore(%arg16 : memref<!tpu.dma_semaphore, #tpu.memory_space<semaphore_mem>>)
    %dma_start3A_208 = arith.constant 0 : i32
    %dma_start3A_209 = tpu.memref_slice %arg6[%add3A_203, %dma_start3A_208] : memref<819200x16xf32, #tpu.memory_space<hbm>> -> memref<512x16xf32, #tpu.memory_space<hbm>>
    %dma_start3A_210 = arith.constant 0 : i32
    %dma_start3A_211 = tpu.memref_slice %arg6[%add3A_203, %dma_start3A_210] : memref<819200x16xf32, #tpu.memory_space<hbm>> -> memref<512x16xf32, #tpu.memory_space<hbm>>
    tpu.enqueue_dma source(%arg12 : memref<512x16xf32, #tpu.memory_space<vmem>>) target(%dma_start3A_211 : memref<512x16xf32, #tpu.memory_space<hbm>>) target_semaphore(%arg16 : memref<!tpu.dma_semaphore, #tpu.memory_space<semaphore_mem>>)
    %dma_wait3A_212 = arith.constant 0 : i32
    %dma_wait3A_213 = arith.constant 0 : i32
    %dma_wait3A_214 = tpu.memref_slice %arg5[%dma_wait3A_212, %dma_wait3A_213] : memref<819200x16xf32, #tpu.memory_space<hbm>> -> memref<512x16xf32, #tpu.memory_space<hbm>>
    %dma_wait3A_215 = arith.constant 0 : i32
    %dma_wait3A_216 = arith.constant 0 : i32
    %dma_wait3A_217 = tpu.memref_slice %arg5[%dma_wait3A_215, %dma_wait3A_216] : memref<819200x16xf32, #tpu.memory_space<hbm>> -> memref<512x16xf32, #tpu.memory_space<hbm>>
    tpu.wait_dma2 semaphore(%arg15 : memref<!tpu.dma_semaphore, #tpu.memory_space<semaphore_mem>>) src(%dma_wait3A_217 : memref<512x16xf32, #tpu.memory_space<hbm>>) dst(%arg9 : memref<512x16xf32, #tpu.memory_space<vmem>>)
    %dma_wait3A_218 = arith.constant 0 : i32
    %dma_wait3A_219 = arith.constant 0 : i32
    %dma_wait3A_220 = tpu.memref_slice %arg5[%dma_wait3A_218, %dma_wait3A_219] : memref<819200x16xf32, #tpu.memory_space<hbm>> -> memref<512x16xf32, #tpu.memory_space<hbm>>
    %dma_wait3A_221 = arith.constant 0 : i32
    %dma_wait3A_222 = arith.constant 0 : i32
    %dma_wait3A_223 = tpu.memref_slice %arg5[%dma_wait3A_221, %dma_wait3A_222] : memref<819200x16xf32, #tpu.memory_space<hbm>> -> memref<512x16xf32, #tpu.memory_space<hbm>>
    tpu.wait_dma2 semaphore(%arg15 : memref<!tpu.dma_semaphore, #tpu.memory_space<semaphore_mem>>) src(%dma_wait3A_223 : memref<512x16xf32, #tpu.memory_space<hbm>>) dst(%arg11 : memref<512x16xf32, #tpu.memory_space<vmem>>)
    %dma_wait3A_224 = arith.constant 0 : i32
    %dma_wait3A_225 = arith.constant 0 : i32
    %dma_wait3A_226 = tpu.memref_slice %arg5[%dma_wait3A_224, %dma_wait3A_225] : memref<819200x16xf32, #tpu.memory_space<hbm>> -> memref<512x16xf32, #tpu.memory_space<hbm>>
    %dma_wait3A_227 = arith.constant 0 : i32
    %dma_wait3A_228 = arith.constant 0 : i32
    %dma_wait3A_229 = tpu.memref_slice %arg5[%dma_wait3A_227, %dma_wait3A_228] : memref<819200x16xf32, #tpu.memory_space<hbm>> -> memref<512x16xf32, #tpu.memory_space<hbm>>
    tpu.wait_dma2 semaphore(%arg16 : memref<!tpu.dma_semaphore, #tpu.memory_space<semaphore_mem>>) src(%dma_wait3A_229 : memref<512x16xf32, #tpu.memory_space<hbm>>) dst(%arg10 : memref<512x16xf32, #tpu.memory_space<vmem>>)
    %dma_wait3A_230 = arith.constant 0 : i32
    %dma_wait3A_231 = arith.constant 0 : i32
    %dma_wait3A_232 = tpu.memref_slice %arg5[%dma_wait3A_230, %dma_wait3A_231] : memref<819200x16xf32, #tpu.memory_space<hbm>> -> memref<512x16xf32, #tpu.memory_space<hbm>>
    %dma_wait3A_233 = arith.constant 0 : i32
    %dma_wait3A_234 = arith.constant 0 : i32
    %dma_wait3A_235 = tpu.memref_slice %arg5[%dma_wait3A_233, %dma_wait3A_234] : memref<819200x16xf32, #tpu.memory_space<hbm>> -> memref<512x16xf32, #tpu.memory_space<hbm>>
    tpu.wait_dma2 semaphore(%arg16 : memref<!tpu.dma_semaphore, #tpu.memory_space<semaphore_mem>>) src(%dma_wait3A_235 : memref<512x16xf32, #tpu.memory_space<hbm>>) dst(%arg12 : memref<512x16xf32, #tpu.memory_space<vmem>>)
    return
  }
}

module attributes {stable_mosaic.version = 14 : i64} {
  func.func @_tc_loss_body(%arg0: i32, %arg1: memref<4096x128xf32, #tpu.memory_space<vmem>>, %arg2: memref<4096x128xf32, #tpu.memory_space<vmem>>, %arg3: memref<1x8x4096xi8, #tpu.memory_space<vmem>>, %arg4: memref<128x16xf32, #tpu.memory_space<vmem>>, %arg5: memref<128x16xf32, #tpu.memory_space<vmem>>, %arg6: memref<8x1xf32, #tpu.memory_space<vmem>>, %arg7: memref<1x1xf32, #tpu.memory_space<vmem>>) attributes {dimension_semantics = [#tpu.dimension_semantics<arbitrary>], iteration_bounds = array<i64: 25>, scalar_prefetch = 0 : i64, scratch_operands = 0 : i64, tpu.core_type = #tpu.core_type<tc>, window_params = [{transform_indices = @transform_0, window_bounds = array<i64: 4096, 128>}, {transform_indices = @transform_1, window_bounds = array<i64: 4096, 128>}, {transform_indices = @transform_2, window_bounds = array<i64: 1, 8, 4096>}, {pipeline_mode = #tpu.pipeline_mode<synchronous>, transform_indices = @transform_3, window_bounds = array<i64: 128, 16>}, {pipeline_mode = #tpu.pipeline_mode<synchronous>, transform_indices = @transform_4, window_bounds = array<i64: 128, 16>}, {pipeline_mode = #tpu.pipeline_mode<synchronous>, transform_indices = @transform_5, window_bounds = array<i64: 8, 1>}, {pipeline_mode = #tpu.pipeline_mode<synchronous>, transform_indices = @transform_6, window_bounds = array<i64: 1, 1>}]} {
    %get3A = arith.constant 0 : index
    %get3A_0 = arith.constant 0 : index
    %get3A_1 = vector.load %arg5[%get3A, %get3A_0] : memref<128x16xf32, #tpu.memory_space<vmem>>, vector<128x16xf32>
    %neg3A = arith.constant 0.000000e+00 : f32
    %neg3A_2 = vector.broadcast %neg3A : f32 to vector<128x16xf32>
    %neg3A_3 = arith.subf %neg3A_2, %get3A_1 : vector<128x16xf32>
    %exp3A = math.exp %neg3A_3 : vector<128x16xf32>
    %add3A = arith.constant 1.000000e+00 : f32
    %add3A_4 = vector.broadcast %add3A : f32 to vector<128x16xf32>
    %add3A_5 = arith.addf %add3A_4, %exp3A : vector<128x16xf32>
    %div3A = arith.constant 1.000000e+00 : f32
    %div3A_6 = vector.broadcast %div3A : f32 to vector<128x16xf32>
    %div3A_7 = arith.divf %div3A_6, %add3A_5 : vector<128x16xf32>
    %mul3A = arith.constant 1.200000e+00 : f32
    %mul3A_8 = vector.broadcast %mul3A : f32 to vector<128x16xf32>
    %mul3A_9 = arith.mulf %div3A_7, %mul3A_8 : vector<128x16xf32>
    %add3A_10 = arith.constant -1.000000e-01 : f32
    %add3A_11 = vector.broadcast %add3A_10 : f32 to vector<128x16xf32>
    %add3A_12 = arith.addf %mul3A_9, %add3A_11 : vector<128x16xf32>
    %jit3A = arith.constant 0.000000e+00 : f32
    %jit3A_13 = arith.constant 1.000000e+00 : f32
    %max3A = vector.broadcast %jit3A : f32 to vector<128x16xf32>
    %max3A_14 = arith.maximumf %max3A, %add3A_12 : vector<128x16xf32>
    %min3A = vector.broadcast %jit3A_13 : f32 to vector<128x16xf32>
    %min3A_15 = arith.minimumf %min3A, %max3A_14 : vector<128x16xf32>
    %get3A_16 = arith.constant 0 : index
    %get3A_17 = arith.constant 0 : index
    %get3A_18 = vector.load %arg4[%get3A_16, %get3A_17] : memref<128x16xf32, #tpu.memory_space<vmem>>, vector<128x16xf32>
    %neg3A_19 = arith.constant 0.000000e+00 : f32
    %neg3A_20 = vector.broadcast %neg3A_19 : f32 to vector<128x16xf32>
    %neg3A_21 = arith.subf %neg3A_20, %get3A_18 : vector<128x16xf32>
    %exp3A_22 = math.exp %neg3A_21 : vector<128x16xf32>
    %add3A_23 = arith.constant 1.000000e+00 : f32
    %add3A_24 = vector.broadcast %add3A_23 : f32 to vector<128x16xf32>
    %add3A_25 = arith.addf %add3A_24, %exp3A_22 : vector<128x16xf32>
    %div3A_26 = arith.constant 1.000000e+00 : f32
    %div3A_27 = vector.broadcast %div3A_26 : f32 to vector<128x16xf32>
    %div3A_28 = arith.divf %div3A_27, %add3A_25 : vector<128x16xf32>
    %mul3A_29 = arith.mulf %div3A_28, %min3A_15 : vector<128x16xf32>
    %convert_element_type3A = arith.truncf %mul3A_29 : vector<128x16xf32> to vector<128x16xbf16>
    %get3A_30 = arith.constant 0 : index
    %get3A_31 = arith.constant 0 : index
    %get3A_32 = vector.load %arg1[%get3A_30, %get3A_31] : memref<4096x128xf32, #tpu.memory_space<vmem>>, vector<4096x128xf32>
    %transpose3A = tpu.transpose %get3A_32, [1, 0] : vector<4096x128xf32> -> vector<128x4096xf32>
    %convert_element_type3A_33 = arith.truncf %transpose3A : vector<128x4096xf32> to vector<128x4096xbf16>
    %get3A_34 = arith.constant 0 : index
    %get3A_35 = arith.constant 0 : index
    %get3A_36 = vector.load %arg2[%get3A_34, %get3A_35] : memref<4096x128xf32, #tpu.memory_space<vmem>>, vector<4096x128xf32>
    %transpose3A_37 = tpu.transpose %get3A_36, [1, 0] : vector<4096x128xf32> -> vector<128x4096xf32>
    %convert_element_type3A_38 = arith.truncf %transpose3A_37 : vector<128x4096xf32> to vector<128x4096xbf16>
    %iota3A = tpu.iota {dimensions = array<i32: 0>} : vector<8x128xi32>
    %iota3A_39 = tpu.iota {dimensions = array<i32: 1>} : vector<8x128xi32>
    %jit3A_40 = arith.constant 16 : i32
    %div3A_41 = vector.broadcast %jit3A_40 : i32 to vector<8x128xi32>
    %div3A_42 = arith.divsi %iota3A_39, %div3A_41 : vector<8x128xi32>
    %sign3A = arith.constant 0 : i32
    %sign3A_43 = vector.broadcast %sign3A : i32 to vector<8x128xi32>
    %sign3A_44 = arith.cmpi sgt, %iota3A_39, %sign3A_43 : vector<8x128xi32>
    %sign3A_45 = arith.extui %sign3A_44 : vector<8x128xi1> to vector<8x128xi32>
    %sign3A_46 = arith.constant 0 : i32
    %sign3A_47 = vector.broadcast %sign3A_46 : i32 to vector<8x128xi32>
    %sign3A_48 = arith.cmpi slt, %iota3A_39, %sign3A_47 : vector<8x128xi32>
    %sign3A_49 = arith.extui %sign3A_48 : vector<8x128xi1> to vector<8x128xi32>
    %sign3A_50 = arith.subi %sign3A_45, %sign3A_49 : vector<8x128xi32>
    %sign3A_51 = arith.constant 0 : i32
    %sign3A_52 = arith.cmpi sgt, %jit3A_40, %sign3A_51 : i32
    %sign3A_53 = arith.extui %sign3A_52 : i1 to i32
    %sign3A_54 = arith.constant 0 : i32
    %sign3A_55 = arith.cmpi slt, %jit3A_40, %sign3A_54 : i32
    %sign3A_56 = arith.extui %sign3A_55 : i1 to i32
    %sign3A_57 = arith.subi %sign3A_53, %sign3A_56 : i32
    %ne3A = vector.broadcast %sign3A_57 : i32 to vector<8x128xi32>
    %ne3A_58 = arith.cmpi ne, %sign3A_50, %ne3A : vector<8x128xi32>
    %rem3A = vector.broadcast %jit3A_40 : i32 to vector<8x128xi32>
    %rem3A_59 = arith.remsi %iota3A_39, %rem3A : vector<8x128xi32>
    %ne3A_60 = arith.constant 0 : i32
    %ne3A_61 = vector.broadcast %ne3A_60 : i32 to vector<8x128xi32>
    %ne3A_62 = arith.cmpi ne, %rem3A_59, %ne3A_61 : vector<8x128xi32>
    %and3A = arith.andi %ne3A_58, %ne3A_62 : vector<8x128xi1>
    %sub3A = arith.constant 1 : i32
    %sub3A_63 = vector.broadcast %sub3A : i32 to vector<8x128xi32>
    %sub3A_64 = arith.subi %div3A_42, %sub3A_63 : vector<8x128xi32>
    %select_n3A = arith.select %and3A, %sub3A_64, %div3A_42 : vector<8x128xi1>, vector<8x128xi32>
    %eq3A = arith.cmpi eq, %iota3A, %select_n3A : vector<8x128xi32>
    %convert_element_type3A_65 = arith.extui %eq3A : vector<8x128xi1> to vector<8x128xi32>
    %convert_element_type3A_66 = arith.sitofp %convert_element_type3A_65 : vector<8x128xi32> to vector<8x128xf32>
    %convert_element_type3A_67 = arith.truncf %convert_element_type3A_66 : vector<8x128xf32> to vector<8x128xbf16>
    %iota3A_68 = tpu.iota {dimensions = array<i32: 0>} : vector<8x4096xi32>
    %iota3A_69 = tpu.iota {dimensions = array<i32: 1>} : vector<1x4096xi32>
    %mul3A_70 = arith.constant 4096 : i32
    %mul3A_71 = arith.muli %arg0, %mul3A_70 : i32
    %add3A_72 = vector.broadcast %mul3A_71 : i32 to vector<1x4096xi32>
    %add3A_73 = arith.addi %add3A_72, %iota3A_69 : vector<1x4096xi32>
    %lt3A = arith.constant 100000 : i32
    %lt3A_74 = vector.broadcast %lt3A : i32 to vector<1x4096xi32>
    %lt3A_75 = arith.cmpi slt, %add3A_73, %lt3A_74 : vector<1x4096xi32>
    %slice3A = vector.extract_strided_slice %convert_element_type3A_38 {offsets = [0, 0], sizes = [16, 4096], strides = [1, 1]} : vector<128x4096xbf16> to vector<16x4096xbf16>
    %slice3A_76 = vector.extract_strided_slice %convert_element_type3A_33 {offsets = [0, 0], sizes = [16, 4096], strides = [1, 1]} : vector<128x4096xbf16> to vector<16x4096xbf16>
    %dot_general3A = arith.constant dense<0.000000e+00> : vector<128x4096xf32>
    %dot_general3A_77 = tpu.matmul %convert_element_type3A, %slice3A, %dot_general3A {dimension_numbers = #tpu.dot_dimension_numbers<[1], [0], [0], [1], [0, 0, 1, 1], [], []>, transpose_lhs_hint = false} : vector<128x16xbf16>, vector<16x4096xbf16>, vector<128x4096xf32> -> vector<128x4096xf32>
    %convert_element_type3A_78 = arith.truncf %dot_general3A_77 : vector<128x4096xf32> to vector<128x4096xbf16>
    %concatenate3A = tpu.concatenate %slice3A_76, %slice3A_76, %slice3A_76, %slice3A_76, %slice3A_76, %slice3A_76, %slice3A_76, %slice3A_76 in 0 : vector<16x4096xbf16>, vector<16x4096xbf16>, vector<16x4096xbf16>, vector<16x4096xbf16>, vector<16x4096xbf16>, vector<16x4096xbf16>, vector<16x4096xbf16>, vector<16x4096xbf16> -> vector<128x4096xbf16>
    %mul3A_79 = arith.mulf %convert_element_type3A_78, %concatenate3A : vector<128x4096xbf16>
    %dot_general3A_80 = arith.constant dense<0.000000e+00> : vector<8x4096xf32>
    %dot_general3A_81 = tpu.matmul %convert_element_type3A_67, %mul3A_79, %dot_general3A_80 {dimension_numbers = #tpu.dot_dimension_numbers<[1], [0], [0], [1], [0, 0, 1, 1], [], []>, transpose_lhs_hint = false} : vector<8x128xbf16>, vector<128x4096xbf16>, vector<8x4096xf32> -> vector<8x4096xf32>
    %get3A_82 = arith.constant 0 : index
    %get3A_83 = arith.constant 0 : index
    %get3A_84 = arith.constant 0 : index
    %get3A_85 = vector.load %arg3[%get3A_82, %get3A_83, %get3A_84] : memref<1x8x4096xi8, #tpu.memory_space<vmem>>, vector<1x1x4096xi8>
    %get3A_86 = vector.shape_cast %get3A_85 : vector<1x1x4096xi8> to vector<1x4096xi8>
    %convert_element_type3A_87 = arith.extsi %get3A_86 : vector<1x4096xi8> to vector<1x4096xi32>
    %eq3A_88 = vector.broadcast %convert_element_type3A_87 : vector<1x4096xi32> to vector<8x4096xi32>
    %eq3A_89 = arith.cmpi eq, %iota3A_68, %eq3A_88 : vector<8x4096xi32>
    %jit3A_90 = arith.constant 0.000000e+00 : f32
    %broadcast_in_dim3A = vector.broadcast %jit3A_90 : f32 to vector<8x4096xf32>
    %select_n3A_91 = arith.select %eq3A_89, %dot_general3A_81, %broadcast_in_dim3A : vector<8x4096xi1>, vector<8x4096xf32>
    %get3A_92 = arith.constant 0 : index
    %get3A_93 = arith.constant 0 : index
    %get3A_94 = vector.load %arg6[%get3A_92, %get3A_93] : memref<8x1xf32, #tpu.memory_space<vmem>>, vector<8x1xf32>
    %jit3A_95 = arith.constant 0.000000e+00 : f32
    %broadcast_in_dim3A_96 = vector.shape_cast %get3A_94 : vector<8x1xf32> to vector<8x1xf32>
    %broadcast_in_dim3A_97 = vector.broadcast %broadcast_in_dim3A_96 : vector<8x1xf32> to vector<8x4096xf32>
    %broadcast_in_dim3A_98 = vector.broadcast %jit3A_95 : f32 to vector<8x4096xf32>
    %select_n3A_99 = arith.select %eq3A_89, %broadcast_in_dim3A_97, %broadcast_in_dim3A_98 : vector<8x4096xi1>, vector<8x4096xf32>
    %reduce_sum3A = arith.constant dense<0.000000e+00> : vector<4096xf32>
    %reduce_sum3A_100 = vector.multi_reduction <add>, %select_n3A_91, %reduce_sum3A [0] : vector<8x4096xf32> to vector<4096xf32>
    %broadcast_in_dim3A_101 = vector.shape_cast %reduce_sum3A_100 : vector<4096xf32> to vector<1x4096xf32>
    %reduce_sum3A_102 = arith.constant dense<0.000000e+00> : vector<4096xf32>
    %reduce_sum3A_103 = vector.multi_reduction <add>, %select_n3A_99, %reduce_sum3A_102 [0] : vector<8x4096xf32> to vector<4096xf32>
    %broadcast_in_dim3A_104 = vector.shape_cast %reduce_sum3A_103 : vector<4096xf32> to vector<1x4096xf32>
    %add3A_105 = arith.addf %broadcast_in_dim3A_101, %broadcast_in_dim3A_104 : vector<1x4096xf32>
    %neg3A_106 = arith.constant 0.000000e+00 : f32
    %neg3A_107 = vector.broadcast %neg3A_106 : f32 to vector<1x4096xf32>
    %neg3A_108 = arith.subf %neg3A_107, %add3A_105 : vector<1x4096xf32>
    %max3A_109 = arith.constant 0.000000e+00 : f32
    %max3A_110 = vector.broadcast %max3A_109 : f32 to vector<1x4096xf32>
    %max3A_111 = arith.maximumf %neg3A_108, %max3A_110 : vector<1x4096xf32>
    %abs3A = math.absf %add3A_105 : vector<1x4096xf32>
    %neg3A_112 = arith.constant 0.000000e+00 : f32
    %neg3A_113 = vector.broadcast %neg3A_112 : f32 to vector<1x4096xf32>
    %neg3A_114 = arith.subf %neg3A_113, %abs3A : vector<1x4096xf32>
    %exp3A_115 = math.exp %neg3A_114 : vector<1x4096xf32>
    %add3A_116 = arith.constant 1.000000e+00 : f32
    %add3A_117 = vector.broadcast %add3A_116 : f32 to vector<1x4096xf32>
    %add3A_118 = arith.addf %add3A_117, %exp3A_115 : vector<1x4096xf32>
    %log3A = math.log %add3A_118 : vector<1x4096xf32>
    %add3A_119 = arith.addf %max3A_111, %log3A : vector<1x4096xf32>
    %jit3A_120 = arith.constant 0.000000e+00 : f32
    %broadcast_in_dim3A_121 = vector.broadcast %jit3A_120 : f32 to vector<1x4096xf32>
    %select_n3A_122 = arith.select %lt3A_75, %add3A_119, %broadcast_in_dim3A_121 : vector<1x4096xi1>, vector<1x4096xf32>
    %reduce_sum3A_123 = vector.shape_cast %select_n3A_122 : vector<1x4096xf32> to vector<1x1x4096xf32>
    %reduce_sum3A_124 = arith.constant dense<0.000000e+00> : vector<1xf32>
    %reduce_sum3A_125 = vector.multi_reduction <add>, %reduce_sum3A_123, %reduce_sum3A_124 [1, 2] : vector<1x1x4096xf32> to vector<1xf32>
    %reduce_sum3A_126 = vector.shape_cast %reduce_sum3A_125 : vector<1xf32> to vector<1x1x1xf32>
    %reduce_sum3A_127 = vector.extract %reduce_sum3A_126[0, 0, 0] : f32 from vector<1x1x1xf32>
    %add3A_128 = arith.constant 0.000000e+00 : f32
    %add3A_129 = arith.addf %add3A_128, %reduce_sum3A_127 : f32
    %slice3A_130 = vector.extract_strided_slice %convert_element_type3A_38 {offsets = [16, 0], sizes = [16, 4096], strides = [1, 1]} : vector<128x4096xbf16> to vector<16x4096xbf16>
    %slice3A_131 = vector.extract_strided_slice %convert_element_type3A_33 {offsets = [16, 0], sizes = [16, 4096], strides = [1, 1]} : vector<128x4096xbf16> to vector<16x4096xbf16>
    %dot_general3A_132 = arith.constant dense<0.000000e+00> : vector<128x4096xf32>
    %dot_general3A_133 = tpu.matmul %convert_element_type3A, %slice3A_130, %dot_general3A_132 {dimension_numbers = #tpu.dot_dimension_numbers<[1], [0], [0], [1], [0, 0, 1, 1], [], []>, transpose_lhs_hint = false} : vector<128x16xbf16>, vector<16x4096xbf16>, vector<128x4096xf32> -> vector<128x4096xf32>
    %convert_element_type3A_134 = arith.truncf %dot_general3A_133 : vector<128x4096xf32> to vector<128x4096xbf16>
    %concatenate3A_135 = tpu.concatenate %slice3A_131, %slice3A_131, %slice3A_131, %slice3A_131, %slice3A_131, %slice3A_131, %slice3A_131, %slice3A_131 in 0 : vector<16x4096xbf16>, vector<16x4096xbf16>, vector<16x4096xbf16>, vector<16x4096xbf16>, vector<16x4096xbf16>, vector<16x4096xbf16>, vector<16x4096xbf16>, vector<16x4096xbf16> -> vector<128x4096xbf16>
    %mul3A_136 = arith.mulf %convert_element_type3A_134, %concatenate3A_135 : vector<128x4096xbf16>
    %dot_general3A_137 = arith.constant dense<0.000000e+00> : vector<8x4096xf32>
    %dot_general3A_138 = tpu.matmul %convert_element_type3A_67, %mul3A_136, %dot_general3A_137 {dimension_numbers = #tpu.dot_dimension_numbers<[1], [0], [0], [1], [0, 0, 1, 1], [], []>, transpose_lhs_hint = false} : vector<8x128xbf16>, vector<128x4096xbf16>, vector<8x4096xf32> -> vector<8x4096xf32>
    %get3A_139 = arith.constant 0 : index
    %get3A_140 = arith.constant 1 : index
    %get3A_141 = arith.constant 0 : index
    %get3A_142 = vector.load %arg3[%get3A_139, %get3A_140, %get3A_141] : memref<1x8x4096xi8, #tpu.memory_space<vmem>>, vector<1x1x4096xi8>
    %get3A_143 = vector.shape_cast %get3A_142 : vector<1x1x4096xi8> to vector<1x4096xi8>
    %convert_element_type3A_144 = arith.extsi %get3A_143 : vector<1x4096xi8> to vector<1x4096xi32>
    %eq3A_145 = vector.broadcast %convert_element_type3A_144 : vector<1x4096xi32> to vector<8x4096xi32>
    %eq3A_146 = arith.cmpi eq, %iota3A_68, %eq3A_145 : vector<8x4096xi32>
    %jit3A_147 = arith.constant 0.000000e+00 : f32
    %broadcast_in_dim3A_148 = vector.broadcast %jit3A_147 : f32 to vector<8x4096xf32>
    %select_n3A_149 = arith.select %eq3A_146, %dot_general3A_138, %broadcast_in_dim3A_148 : vector<8x4096xi1>, vector<8x4096xf32>
    %get3A_150 = arith.constant 0 : index
    %get3A_151 = arith.constant 0 : index
    %get3A_152 = vector.load %arg6[%get3A_150, %get3A_151] : memref<8x1xf32, #tpu.memory_space<vmem>>, vector<8x1xf32>
    %jit3A_153 = arith.constant 0.000000e+00 : f32
    %broadcast_in_dim3A_154 = vector.shape_cast %get3A_152 : vector<8x1xf32> to vector<8x1xf32>
    %broadcast_in_dim3A_155 = vector.broadcast %broadcast_in_dim3A_154 : vector<8x1xf32> to vector<8x4096xf32>
    %broadcast_in_dim3A_156 = vector.broadcast %jit3A_153 : f32 to vector<8x4096xf32>
    %select_n3A_157 = arith.select %eq3A_146, %broadcast_in_dim3A_155, %broadcast_in_dim3A_156 : vector<8x4096xi1>, vector<8x4096xf32>
    %reduce_sum3A_158 = arith.constant dense<0.000000e+00> : vector<4096xf32>
    %reduce_sum3A_159 = vector.multi_reduction <add>, %select_n3A_149, %reduce_sum3A_158 [0] : vector<8x4096xf32> to vector<4096xf32>
    %broadcast_in_dim3A_160 = vector.shape_cast %reduce_sum3A_159 : vector<4096xf32> to vector<1x4096xf32>
    %reduce_sum3A_161 = arith.constant dense<0.000000e+00> : vector<4096xf32>
    %reduce_sum3A_162 = vector.multi_reduction <add>, %select_n3A_157, %reduce_sum3A_161 [0] : vector<8x4096xf32> to vector<4096xf32>
    %broadcast_in_dim3A_163 = vector.shape_cast %reduce_sum3A_162 : vector<4096xf32> to vector<1x4096xf32>
    %add3A_164 = arith.addf %broadcast_in_dim3A_160, %broadcast_in_dim3A_163 : vector<1x4096xf32>
    %neg3A_165 = arith.constant 0.000000e+00 : f32
    %neg3A_166 = vector.broadcast %neg3A_165 : f32 to vector<1x4096xf32>
    %neg3A_167 = arith.subf %neg3A_166, %add3A_164 : vector<1x4096xf32>
    %max3A_168 = arith.constant 0.000000e+00 : f32
    %max3A_169 = vector.broadcast %max3A_168 : f32 to vector<1x4096xf32>
    %max3A_170 = arith.maximumf %neg3A_167, %max3A_169 : vector<1x4096xf32>
    %abs3A_171 = math.absf %add3A_164 : vector<1x4096xf32>
    %neg3A_172 = arith.constant 0.000000e+00 : f32
    %neg3A_173 = vector.broadcast %neg3A_172 : f32 to vector<1x4096xf32>
    %neg3A_174 = arith.subf %neg3A_173, %abs3A_171 : vector<1x4096xf32>
    %exp3A_175 = math.exp %neg3A_174 : vector<1x4096xf32>
    %add3A_176 = arith.constant 1.000000e+00 : f32
    %add3A_177 = vector.broadcast %add3A_176 : f32 to vector<1x4096xf32>
    %add3A_178 = arith.addf %add3A_177, %exp3A_175 : vector<1x4096xf32>
    %log3A_179 = math.log %add3A_178 : vector<1x4096xf32>
    %add3A_180 = arith.addf %max3A_170, %log3A_179 : vector<1x4096xf32>
    %jit3A_181 = arith.constant 0.000000e+00 : f32
    %broadcast_in_dim3A_182 = vector.broadcast %jit3A_181 : f32 to vector<1x4096xf32>
    %select_n3A_183 = arith.select %lt3A_75, %add3A_180, %broadcast_in_dim3A_182 : vector<1x4096xi1>, vector<1x4096xf32>
    %reduce_sum3A_184 = vector.shape_cast %select_n3A_183 : vector<1x4096xf32> to vector<1x1x4096xf32>
    %reduce_sum3A_185 = arith.constant dense<0.000000e+00> : vector<1xf32>
    %reduce_sum3A_186 = vector.multi_reduction <add>, %reduce_sum3A_184, %reduce_sum3A_185 [1, 2] : vector<1x1x4096xf32> to vector<1xf32>
    %reduce_sum3A_187 = vector.shape_cast %reduce_sum3A_186 : vector<1xf32> to vector<1x1x1xf32>
    %reduce_sum3A_188 = vector.extract %reduce_sum3A_187[0, 0, 0] : f32 from vector<1x1x1xf32>
    %add3A_189 = arith.addf %add3A_129, %reduce_sum3A_188 : f32
    %slice3A_190 = vector.extract_strided_slice %convert_element_type3A_38 {offsets = [32, 0], sizes = [16, 4096], strides = [1, 1]} : vector<128x4096xbf16> to vector<16x4096xbf16>
    %slice3A_191 = vector.extract_strided_slice %convert_element_type3A_33 {offsets = [32, 0], sizes = [16, 4096], strides = [1, 1]} : vector<128x4096xbf16> to vector<16x4096xbf16>
    %dot_general3A_192 = arith.constant dense<0.000000e+00> : vector<128x4096xf32>
    %dot_general3A_193 = tpu.matmul %convert_element_type3A, %slice3A_190, %dot_general3A_192 {dimension_numbers = #tpu.dot_dimension_numbers<[1], [0], [0], [1], [0, 0, 1, 1], [], []>, transpose_lhs_hint = false} : vector<128x16xbf16>, vector<16x4096xbf16>, vector<128x4096xf32> -> vector<128x4096xf32>
    %convert_element_type3A_194 = arith.truncf %dot_general3A_193 : vector<128x4096xf32> to vector<128x4096xbf16>
    %concatenate3A_195 = tpu.concatenate %slice3A_191, %slice3A_191, %slice3A_191, %slice3A_191, %slice3A_191, %slice3A_191, %slice3A_191, %slice3A_191 in 0 : vector<16x4096xbf16>, vector<16x4096xbf16>, vector<16x4096xbf16>, vector<16x4096xbf16>, vector<16x4096xbf16>, vector<16x4096xbf16>, vector<16x4096xbf16>, vector<16x4096xbf16> -> vector<128x4096xbf16>
    %mul3A_196 = arith.mulf %convert_element_type3A_194, %concatenate3A_195 : vector<128x4096xbf16>
    %dot_general3A_197 = arith.constant dense<0.000000e+00> : vector<8x4096xf32>
    %dot_general3A_198 = tpu.matmul %convert_element_type3A_67, %mul3A_196, %dot_general3A_197 {dimension_numbers = #tpu.dot_dimension_numbers<[1], [0], [0], [1], [0, 0, 1, 1], [], []>, transpose_lhs_hint = false} : vector<8x128xbf16>, vector<128x4096xbf16>, vector<8x4096xf32> -> vector<8x4096xf32>
    %get3A_199 = arith.constant 0 : index
    %get3A_200 = arith.constant 2 : index
    %get3A_201 = arith.constant 0 : index
    %get3A_202 = vector.load %arg3[%get3A_199, %get3A_200, %get3A_201] : memref<1x8x4096xi8, #tpu.memory_space<vmem>>, vector<1x1x4096xi8>
    %get3A_203 = vector.shape_cast %get3A_202 : vector<1x1x4096xi8> to vector<1x4096xi8>
    %convert_element_type3A_204 = arith.extsi %get3A_203 : vector<1x4096xi8> to vector<1x4096xi32>
    %eq3A_205 = vector.broadcast %convert_element_type3A_204 : vector<1x4096xi32> to vector<8x4096xi32>
    %eq3A_206 = arith.cmpi eq, %iota3A_68, %eq3A_205 : vector<8x4096xi32>
    %jit3A_207 = arith.constant 0.000000e+00 : f32
    %broadcast_in_dim3A_208 = vector.broadcast %jit3A_207 : f32 to vector<8x4096xf32>
    %select_n3A_209 = arith.select %eq3A_206, %dot_general3A_198, %broadcast_in_dim3A_208 : vector<8x4096xi1>, vector<8x4096xf32>
    %get3A_210 = arith.constant 0 : index
    %get3A_211 = arith.constant 0 : index
    %get3A_212 = vector.load %arg6[%get3A_210, %get3A_211] : memref<8x1xf32, #tpu.memory_space<vmem>>, vector<8x1xf32>
    %jit3A_213 = arith.constant 0.000000e+00 : f32
    %broadcast_in_dim3A_214 = vector.shape_cast %get3A_212 : vector<8x1xf32> to vector<8x1xf32>
    %broadcast_in_dim3A_215 = vector.broadcast %broadcast_in_dim3A_214 : vector<8x1xf32> to vector<8x4096xf32>
    %broadcast_in_dim3A_216 = vector.broadcast %jit3A_213 : f32 to vector<8x4096xf32>
    %select_n3A_217 = arith.select %eq3A_206, %broadcast_in_dim3A_215, %broadcast_in_dim3A_216 : vector<8x4096xi1>, vector<8x4096xf32>
    %reduce_sum3A_218 = arith.constant dense<0.000000e+00> : vector<4096xf32>
    %reduce_sum3A_219 = vector.multi_reduction <add>, %select_n3A_209, %reduce_sum3A_218 [0] : vector<8x4096xf32> to vector<4096xf32>
    %broadcast_in_dim3A_220 = vector.shape_cast %reduce_sum3A_219 : vector<4096xf32> to vector<1x4096xf32>
    %reduce_sum3A_221 = arith.constant dense<0.000000e+00> : vector<4096xf32>
    %reduce_sum3A_222 = vector.multi_reduction <add>, %select_n3A_217, %reduce_sum3A_221 [0] : vector<8x4096xf32> to vector<4096xf32>
    %broadcast_in_dim3A_223 = vector.shape_cast %reduce_sum3A_222 : vector<4096xf32> to vector<1x4096xf32>
    %add3A_224 = arith.addf %broadcast_in_dim3A_220, %broadcast_in_dim3A_223 : vector<1x4096xf32>
    %neg3A_225 = arith.constant 0.000000e+00 : f32
    %neg3A_226 = vector.broadcast %neg3A_225 : f32 to vector<1x4096xf32>
    %neg3A_227 = arith.subf %neg3A_226, %add3A_224 : vector<1x4096xf32>
    %max3A_228 = arith.constant 0.000000e+00 : f32
    %max3A_229 = vector.broadcast %max3A_228 : f32 to vector<1x4096xf32>
    %max3A_230 = arith.maximumf %neg3A_227, %max3A_229 : vector<1x4096xf32>
    %abs3A_231 = math.absf %add3A_224 : vector<1x4096xf32>
    %neg3A_232 = arith.constant 0.000000e+00 : f32
    %neg3A_233 = vector.broadcast %neg3A_232 : f32 to vector<1x4096xf32>
    %neg3A_234 = arith.subf %neg3A_233, %abs3A_231 : vector<1x4096xf32>
    %exp3A_235 = math.exp %neg3A_234 : vector<1x4096xf32>
    %add3A_236 = arith.constant 1.000000e+00 : f32
    %add3A_237 = vector.broadcast %add3A_236 : f32 to vector<1x4096xf32>
    %add3A_238 = arith.addf %add3A_237, %exp3A_235 : vector<1x4096xf32>
    %log3A_239 = math.log %add3A_238 : vector<1x4096xf32>
    %add3A_240 = arith.addf %max3A_230, %log3A_239 : vector<1x4096xf32>
    %jit3A_241 = arith.constant 0.000000e+00 : f32
    %broadcast_in_dim3A_242 = vector.broadcast %jit3A_241 : f32 to vector<1x4096xf32>
    %select_n3A_243 = arith.select %lt3A_75, %add3A_240, %broadcast_in_dim3A_242 : vector<1x4096xi1>, vector<1x4096xf32>
    %reduce_sum3A_244 = vector.shape_cast %select_n3A_243 : vector<1x4096xf32> to vector<1x1x4096xf32>
    %reduce_sum3A_245 = arith.constant dense<0.000000e+00> : vector<1xf32>
    %reduce_sum3A_246 = vector.multi_reduction <add>, %reduce_sum3A_244, %reduce_sum3A_245 [1, 2] : vector<1x1x4096xf32> to vector<1xf32>
    %reduce_sum3A_247 = vector.shape_cast %reduce_sum3A_246 : vector<1xf32> to vector<1x1x1xf32>
    %reduce_sum3A_248 = vector.extract %reduce_sum3A_247[0, 0, 0] : f32 from vector<1x1x1xf32>
    %add3A_249 = arith.addf %add3A_189, %reduce_sum3A_248 : f32
    %slice3A_250 = vector.extract_strided_slice %convert_element_type3A_38 {offsets = [48, 0], sizes = [16, 4096], strides = [1, 1]} : vector<128x4096xbf16> to vector<16x4096xbf16>
    %slice3A_251 = vector.extract_strided_slice %convert_element_type3A_33 {offsets = [48, 0], sizes = [16, 4096], strides = [1, 1]} : vector<128x4096xbf16> to vector<16x4096xbf16>
    %dot_general3A_252 = arith.constant dense<0.000000e+00> : vector<128x4096xf32>
    %dot_general3A_253 = tpu.matmul %convert_element_type3A, %slice3A_250, %dot_general3A_252 {dimension_numbers = #tpu.dot_dimension_numbers<[1], [0], [0], [1], [0, 0, 1, 1], [], []>, transpose_lhs_hint = false} : vector<128x16xbf16>, vector<16x4096xbf16>, vector<128x4096xf32> -> vector<128x4096xf32>
    %convert_element_type3A_254 = arith.truncf %dot_general3A_253 : vector<128x4096xf32> to vector<128x4096xbf16>
    %concatenate3A_255 = tpu.concatenate %slice3A_251, %slice3A_251, %slice3A_251, %slice3A_251, %slice3A_251, %slice3A_251, %slice3A_251, %slice3A_251 in 0 : vector<16x4096xbf16>, vector<16x4096xbf16>, vector<16x4096xbf16>, vector<16x4096xbf16>, vector<16x4096xbf16>, vector<16x4096xbf16>, vector<16x4096xbf16>, vector<16x4096xbf16> -> vector<128x4096xbf16>
    %mul3A_256 = arith.mulf %convert_element_type3A_254, %concatenate3A_255 : vector<128x4096xbf16>
    %dot_general3A_257 = arith.constant dense<0.000000e+00> : vector<8x4096xf32>
    %dot_general3A_258 = tpu.matmul %convert_element_type3A_67, %mul3A_256, %dot_general3A_257 {dimension_numbers = #tpu.dot_dimension_numbers<[1], [0], [0], [1], [0, 0, 1, 1], [], []>, transpose_lhs_hint = false} : vector<8x128xbf16>, vector<128x4096xbf16>, vector<8x4096xf32> -> vector<8x4096xf32>
    %get3A_259 = arith.constant 0 : index
    %get3A_260 = arith.constant 3 : index
    %get3A_261 = arith.constant 0 : index
    %get3A_262 = vector.load %arg3[%get3A_259, %get3A_260, %get3A_261] : memref<1x8x4096xi8, #tpu.memory_space<vmem>>, vector<1x1x4096xi8>
    %get3A_263 = vector.shape_cast %get3A_262 : vector<1x1x4096xi8> to vector<1x4096xi8>
    %convert_element_type3A_264 = arith.extsi %get3A_263 : vector<1x4096xi8> to vector<1x4096xi32>
    %eq3A_265 = vector.broadcast %convert_element_type3A_264 : vector<1x4096xi32> to vector<8x4096xi32>
    %eq3A_266 = arith.cmpi eq, %iota3A_68, %eq3A_265 : vector<8x4096xi32>
    %jit3A_267 = arith.constant 0.000000e+00 : f32
    %broadcast_in_dim3A_268 = vector.broadcast %jit3A_267 : f32 to vector<8x4096xf32>
    %select_n3A_269 = arith.select %eq3A_266, %dot_general3A_258, %broadcast_in_dim3A_268 : vector<8x4096xi1>, vector<8x4096xf32>
    %get3A_270 = arith.constant 0 : index
    %get3A_271 = arith.constant 0 : index
    %get3A_272 = vector.load %arg6[%get3A_270, %get3A_271] : memref<8x1xf32, #tpu.memory_space<vmem>>, vector<8x1xf32>
    %jit3A_273 = arith.constant 0.000000e+00 : f32
    %broadcast_in_dim3A_274 = vector.shape_cast %get3A_272 : vector<8x1xf32> to vector<8x1xf32>
    %broadcast_in_dim3A_275 = vector.broadcast %broadcast_in_dim3A_274 : vector<8x1xf32> to vector<8x4096xf32>
    %broadcast_in_dim3A_276 = vector.broadcast %jit3A_273 : f32 to vector<8x4096xf32>
    %select_n3A_277 = arith.select %eq3A_266, %broadcast_in_dim3A_275, %broadcast_in_dim3A_276 : vector<8x4096xi1>, vector<8x4096xf32>
    %reduce_sum3A_278 = arith.constant dense<0.000000e+00> : vector<4096xf32>
    %reduce_sum3A_279 = vector.multi_reduction <add>, %select_n3A_269, %reduce_sum3A_278 [0] : vector<8x4096xf32> to vector<4096xf32>
    %broadcast_in_dim3A_280 = vector.shape_cast %reduce_sum3A_279 : vector<4096xf32> to vector<1x4096xf32>
    %reduce_sum3A_281 = arith.constant dense<0.000000e+00> : vector<4096xf32>
    %reduce_sum3A_282 = vector.multi_reduction <add>, %select_n3A_277, %reduce_sum3A_281 [0] : vector<8x4096xf32> to vector<4096xf32>
    %broadcast_in_dim3A_283 = vector.shape_cast %reduce_sum3A_282 : vector<4096xf32> to vector<1x4096xf32>
    %add3A_284 = arith.addf %broadcast_in_dim3A_280, %broadcast_in_dim3A_283 : vector<1x4096xf32>
    %neg3A_285 = arith.constant 0.000000e+00 : f32
    %neg3A_286 = vector.broadcast %neg3A_285 : f32 to vector<1x4096xf32>
    %neg3A_287 = arith.subf %neg3A_286, %add3A_284 : vector<1x4096xf32>
    %max3A_288 = arith.constant 0.000000e+00 : f32
    %max3A_289 = vector.broadcast %max3A_288 : f32 to vector<1x4096xf32>
    %max3A_290 = arith.maximumf %neg3A_287, %max3A_289 : vector<1x4096xf32>
    %abs3A_291 = math.absf %add3A_284 : vector<1x4096xf32>
    %neg3A_292 = arith.constant 0.000000e+00 : f32
    %neg3A_293 = vector.broadcast %neg3A_292 : f32 to vector<1x4096xf32>
    %neg3A_294 = arith.subf %neg3A_293, %abs3A_291 : vector<1x4096xf32>
    %exp3A_295 = math.exp %neg3A_294 : vector<1x4096xf32>
    %add3A_296 = arith.constant 1.000000e+00 : f32
    %add3A_297 = vector.broadcast %add3A_296 : f32 to vector<1x4096xf32>
    %add3A_298 = arith.addf %add3A_297, %exp3A_295 : vector<1x4096xf32>
    %log3A_299 = math.log %add3A_298 : vector<1x4096xf32>
    %add3A_300 = arith.addf %max3A_290, %log3A_299 : vector<1x4096xf32>
    %jit3A_301 = arith.constant 0.000000e+00 : f32
    %broadcast_in_dim3A_302 = vector.broadcast %jit3A_301 : f32 to vector<1x4096xf32>
    %select_n3A_303 = arith.select %lt3A_75, %add3A_300, %broadcast_in_dim3A_302 : vector<1x4096xi1>, vector<1x4096xf32>
    %reduce_sum3A_304 = vector.shape_cast %select_n3A_303 : vector<1x4096xf32> to vector<1x1x4096xf32>
    %reduce_sum3A_305 = arith.constant dense<0.000000e+00> : vector<1xf32>
    %reduce_sum3A_306 = vector.multi_reduction <add>, %reduce_sum3A_304, %reduce_sum3A_305 [1, 2] : vector<1x1x4096xf32> to vector<1xf32>
    %reduce_sum3A_307 = vector.shape_cast %reduce_sum3A_306 : vector<1xf32> to vector<1x1x1xf32>
    %reduce_sum3A_308 = vector.extract %reduce_sum3A_307[0, 0, 0] : f32 from vector<1x1x1xf32>
    %add3A_309 = arith.addf %add3A_249, %reduce_sum3A_308 : f32
    %slice3A_310 = vector.extract_strided_slice %convert_element_type3A_38 {offsets = [64, 0], sizes = [16, 4096], strides = [1, 1]} : vector<128x4096xbf16> to vector<16x4096xbf16>
    %slice3A_311 = vector.extract_strided_slice %convert_element_type3A_33 {offsets = [64, 0], sizes = [16, 4096], strides = [1, 1]} : vector<128x4096xbf16> to vector<16x4096xbf16>
    %dot_general3A_312 = arith.constant dense<0.000000e+00> : vector<128x4096xf32>
    %dot_general3A_313 = tpu.matmul %convert_element_type3A, %slice3A_310, %dot_general3A_312 {dimension_numbers = #tpu.dot_dimension_numbers<[1], [0], [0], [1], [0, 0, 1, 1], [], []>, transpose_lhs_hint = false} : vector<128x16xbf16>, vector<16x4096xbf16>, vector<128x4096xf32> -> vector<128x4096xf32>
    %convert_element_type3A_314 = arith.truncf %dot_general3A_313 : vector<128x4096xf32> to vector<128x4096xbf16>
    %concatenate3A_315 = tpu.concatenate %slice3A_311, %slice3A_311, %slice3A_311, %slice3A_311, %slice3A_311, %slice3A_311, %slice3A_311, %slice3A_311 in 0 : vector<16x4096xbf16>, vector<16x4096xbf16>, vector<16x4096xbf16>, vector<16x4096xbf16>, vector<16x4096xbf16>, vector<16x4096xbf16>, vector<16x4096xbf16>, vector<16x4096xbf16> -> vector<128x4096xbf16>
    %mul3A_316 = arith.mulf %convert_element_type3A_314, %concatenate3A_315 : vector<128x4096xbf16>
    %dot_general3A_317 = arith.constant dense<0.000000e+00> : vector<8x4096xf32>
    %dot_general3A_318 = tpu.matmul %convert_element_type3A_67, %mul3A_316, %dot_general3A_317 {dimension_numbers = #tpu.dot_dimension_numbers<[1], [0], [0], [1], [0, 0, 1, 1], [], []>, transpose_lhs_hint = false} : vector<8x128xbf16>, vector<128x4096xbf16>, vector<8x4096xf32> -> vector<8x4096xf32>
    %get3A_319 = arith.constant 0 : index
    %get3A_320 = arith.constant 4 : index
    %get3A_321 = arith.constant 0 : index
    %get3A_322 = vector.load %arg3[%get3A_319, %get3A_320, %get3A_321] : memref<1x8x4096xi8, #tpu.memory_space<vmem>>, vector<1x1x4096xi8>
    %get3A_323 = vector.shape_cast %get3A_322 : vector<1x1x4096xi8> to vector<1x4096xi8>
    %convert_element_type3A_324 = arith.extsi %get3A_323 : vector<1x4096xi8> to vector<1x4096xi32>
    %eq3A_325 = vector.broadcast %convert_element_type3A_324 : vector<1x4096xi32> to vector<8x4096xi32>
    %eq3A_326 = arith.cmpi eq, %iota3A_68, %eq3A_325 : vector<8x4096xi32>
    %jit3A_327 = arith.constant 0.000000e+00 : f32
    %broadcast_in_dim3A_328 = vector.broadcast %jit3A_327 : f32 to vector<8x4096xf32>
    %select_n3A_329 = arith.select %eq3A_326, %dot_general3A_318, %broadcast_in_dim3A_328 : vector<8x4096xi1>, vector<8x4096xf32>
    %get3A_330 = arith.constant 0 : index
    %get3A_331 = arith.constant 0 : index
    %get3A_332 = vector.load %arg6[%get3A_330, %get3A_331] : memref<8x1xf32, #tpu.memory_space<vmem>>, vector<8x1xf32>
    %jit3A_333 = arith.constant 0.000000e+00 : f32
    %broadcast_in_dim3A_334 = vector.shape_cast %get3A_332 : vector<8x1xf32> to vector<8x1xf32>
    %broadcast_in_dim3A_335 = vector.broadcast %broadcast_in_dim3A_334 : vector<8x1xf32> to vector<8x4096xf32>
    %broadcast_in_dim3A_336 = vector.broadcast %jit3A_333 : f32 to vector<8x4096xf32>
    %select_n3A_337 = arith.select %eq3A_326, %broadcast_in_dim3A_335, %broadcast_in_dim3A_336 : vector<8x4096xi1>, vector<8x4096xf32>
    %reduce_sum3A_338 = arith.constant dense<0.000000e+00> : vector<4096xf32>
    %reduce_sum3A_339 = vector.multi_reduction <add>, %select_n3A_329, %reduce_sum3A_338 [0] : vector<8x4096xf32> to vector<4096xf32>
    %broadcast_in_dim3A_340 = vector.shape_cast %reduce_sum3A_339 : vector<4096xf32> to vector<1x4096xf32>
    %reduce_sum3A_341 = arith.constant dense<0.000000e+00> : vector<4096xf32>
    %reduce_sum3A_342 = vector.multi_reduction <add>, %select_n3A_337, %reduce_sum3A_341 [0] : vector<8x4096xf32> to vector<4096xf32>
    %broadcast_in_dim3A_343 = vector.shape_cast %reduce_sum3A_342 : vector<4096xf32> to vector<1x4096xf32>
    %add3A_344 = arith.addf %broadcast_in_dim3A_340, %broadcast_in_dim3A_343 : vector<1x4096xf32>
    %neg3A_345 = arith.constant 0.000000e+00 : f32
    %neg3A_346 = vector.broadcast %neg3A_345 : f32 to vector<1x4096xf32>
    %neg3A_347 = arith.subf %neg3A_346, %add3A_344 : vector<1x4096xf32>
    %max3A_348 = arith.constant 0.000000e+00 : f32
    %max3A_349 = vector.broadcast %max3A_348 : f32 to vector<1x4096xf32>
    %max3A_350 = arith.maximumf %neg3A_347, %max3A_349 : vector<1x4096xf32>
    %abs3A_351 = math.absf %add3A_344 : vector<1x4096xf32>
    %neg3A_352 = arith.constant 0.000000e+00 : f32
    %neg3A_353 = vector.broadcast %neg3A_352 : f32 to vector<1x4096xf32>
    %neg3A_354 = arith.subf %neg3A_353, %abs3A_351 : vector<1x4096xf32>
    %exp3A_355 = math.exp %neg3A_354 : vector<1x4096xf32>
    %add3A_356 = arith.constant 1.000000e+00 : f32
    %add3A_357 = vector.broadcast %add3A_356 : f32 to vector<1x4096xf32>
    %add3A_358 = arith.addf %add3A_357, %exp3A_355 : vector<1x4096xf32>
    %log3A_359 = math.log %add3A_358 : vector<1x4096xf32>
    %add3A_360 = arith.addf %max3A_350, %log3A_359 : vector<1x4096xf32>
    %jit3A_361 = arith.constant 0.000000e+00 : f32
    %broadcast_in_dim3A_362 = vector.broadcast %jit3A_361 : f32 to vector<1x4096xf32>
    %select_n3A_363 = arith.select %lt3A_75, %add3A_360, %broadcast_in_dim3A_362 : vector<1x4096xi1>, vector<1x4096xf32>
    %reduce_sum3A_364 = vector.shape_cast %select_n3A_363 : vector<1x4096xf32> to vector<1x1x4096xf32>
    %reduce_sum3A_365 = arith.constant dense<0.000000e+00> : vector<1xf32>
    %reduce_sum3A_366 = vector.multi_reduction <add>, %reduce_sum3A_364, %reduce_sum3A_365 [1, 2] : vector<1x1x4096xf32> to vector<1xf32>
    %reduce_sum3A_367 = vector.shape_cast %reduce_sum3A_366 : vector<1xf32> to vector<1x1x1xf32>
    %reduce_sum3A_368 = vector.extract %reduce_sum3A_367[0, 0, 0] : f32 from vector<1x1x1xf32>
    %add3A_369 = arith.addf %add3A_309, %reduce_sum3A_368 : f32
    %slice3A_370 = vector.extract_strided_slice %convert_element_type3A_38 {offsets = [80, 0], sizes = [16, 4096], strides = [1, 1]} : vector<128x4096xbf16> to vector<16x4096xbf16>
    %slice3A_371 = vector.extract_strided_slice %convert_element_type3A_33 {offsets = [80, 0], sizes = [16, 4096], strides = [1, 1]} : vector<128x4096xbf16> to vector<16x4096xbf16>
    %dot_general3A_372 = arith.constant dense<0.000000e+00> : vector<128x4096xf32>
    %dot_general3A_373 = tpu.matmul %convert_element_type3A, %slice3A_370, %dot_general3A_372 {dimension_numbers = #tpu.dot_dimension_numbers<[1], [0], [0], [1], [0, 0, 1, 1], [], []>, transpose_lhs_hint = false} : vector<128x16xbf16>, vector<16x4096xbf16>, vector<128x4096xf32> -> vector<128x4096xf32>
    %convert_element_type3A_374 = arith.truncf %dot_general3A_373 : vector<128x4096xf32> to vector<128x4096xbf16>
    %concatenate3A_375 = tpu.concatenate %slice3A_371, %slice3A_371, %slice3A_371, %slice3A_371, %slice3A_371, %slice3A_371, %slice3A_371, %slice3A_371 in 0 : vector<16x4096xbf16>, vector<16x4096xbf16>, vector<16x4096xbf16>, vector<16x4096xbf16>, vector<16x4096xbf16>, vector<16x4096xbf16>, vector<16x4096xbf16>, vector<16x4096xbf16> -> vector<128x4096xbf16>
    %mul3A_376 = arith.mulf %convert_element_type3A_374, %concatenate3A_375 : vector<128x4096xbf16>
    %dot_general3A_377 = arith.constant dense<0.000000e+00> : vector<8x4096xf32>
    %dot_general3A_378 = tpu.matmul %convert_element_type3A_67, %mul3A_376, %dot_general3A_377 {dimension_numbers = #tpu.dot_dimension_numbers<[1], [0], [0], [1], [0, 0, 1, 1], [], []>, transpose_lhs_hint = false} : vector<8x128xbf16>, vector<128x4096xbf16>, vector<8x4096xf32> -> vector<8x4096xf32>
    %get3A_379 = arith.constant 0 : index
    %get3A_380 = arith.constant 5 : index
    %get3A_381 = arith.constant 0 : index
    %get3A_382 = vector.load %arg3[%get3A_379, %get3A_380, %get3A_381] : memref<1x8x4096xi8, #tpu.memory_space<vmem>>, vector<1x1x4096xi8>
    %get3A_383 = vector.shape_cast %get3A_382 : vector<1x1x4096xi8> to vector<1x4096xi8>
    %convert_element_type3A_384 = arith.extsi %get3A_383 : vector<1x4096xi8> to vector<1x4096xi32>
    %eq3A_385 = vector.broadcast %convert_element_type3A_384 : vector<1x4096xi32> to vector<8x4096xi32>
    %eq3A_386 = arith.cmpi eq, %iota3A_68, %eq3A_385 : vector<8x4096xi32>
    %jit3A_387 = arith.constant 0.000000e+00 : f32
    %broadcast_in_dim3A_388 = vector.broadcast %jit3A_387 : f32 to vector<8x4096xf32>
    %select_n3A_389 = arith.select %eq3A_386, %dot_general3A_378, %broadcast_in_dim3A_388 : vector<8x4096xi1>, vector<8x4096xf32>
    %get3A_390 = arith.constant 0 : index
    %get3A_391 = arith.constant 0 : index
    %get3A_392 = vector.load %arg6[%get3A_390, %get3A_391] : memref<8x1xf32, #tpu.memory_space<vmem>>, vector<8x1xf32>
    %jit3A_393 = arith.constant 0.000000e+00 : f32
    %broadcast_in_dim3A_394 = vector.shape_cast %get3A_392 : vector<8x1xf32> to vector<8x1xf32>
    %broadcast_in_dim3A_395 = vector.broadcast %broadcast_in_dim3A_394 : vector<8x1xf32> to vector<8x4096xf32>
    %broadcast_in_dim3A_396 = vector.broadcast %jit3A_393 : f32 to vector<8x4096xf32>
    %select_n3A_397 = arith.select %eq3A_386, %broadcast_in_dim3A_395, %broadcast_in_dim3A_396 : vector<8x4096xi1>, vector<8x4096xf32>
    %reduce_sum3A_398 = arith.constant dense<0.000000e+00> : vector<4096xf32>
    %reduce_sum3A_399 = vector.multi_reduction <add>, %select_n3A_389, %reduce_sum3A_398 [0] : vector<8x4096xf32> to vector<4096xf32>
    %broadcast_in_dim3A_400 = vector.shape_cast %reduce_sum3A_399 : vector<4096xf32> to vector<1x4096xf32>
    %reduce_sum3A_401 = arith.constant dense<0.000000e+00> : vector<4096xf32>
    %reduce_sum3A_402 = vector.multi_reduction <add>, %select_n3A_397, %reduce_sum3A_401 [0] : vector<8x4096xf32> to vector<4096xf32>
    %broadcast_in_dim3A_403 = vector.shape_cast %reduce_sum3A_402 : vector<4096xf32> to vector<1x4096xf32>
    %add3A_404 = arith.addf %broadcast_in_dim3A_400, %broadcast_in_dim3A_403 : vector<1x4096xf32>
    %neg3A_405 = arith.constant 0.000000e+00 : f32
    %neg3A_406 = vector.broadcast %neg3A_405 : f32 to vector<1x4096xf32>
    %neg3A_407 = arith.subf %neg3A_406, %add3A_404 : vector<1x4096xf32>
    %max3A_408 = arith.constant 0.000000e+00 : f32
    %max3A_409 = vector.broadcast %max3A_408 : f32 to vector<1x4096xf32>
    %max3A_410 = arith.maximumf %neg3A_407, %max3A_409 : vector<1x4096xf32>
    %abs3A_411 = math.absf %add3A_404 : vector<1x4096xf32>
    %neg3A_412 = arith.constant 0.000000e+00 : f32
    %neg3A_413 = vector.broadcast %neg3A_412 : f32 to vector<1x4096xf32>
    %neg3A_414 = arith.subf %neg3A_413, %abs3A_411 : vector<1x4096xf32>
    %exp3A_415 = math.exp %neg3A_414 : vector<1x4096xf32>
    %add3A_416 = arith.constant 1.000000e+00 : f32
    %add3A_417 = vector.broadcast %add3A_416 : f32 to vector<1x4096xf32>
    %add3A_418 = arith.addf %add3A_417, %exp3A_415 : vector<1x4096xf32>
    %log3A_419 = math.log %add3A_418 : vector<1x4096xf32>
    %add3A_420 = arith.addf %max3A_410, %log3A_419 : vector<1x4096xf32>
    %jit3A_421 = arith.constant 0.000000e+00 : f32
    %broadcast_in_dim3A_422 = vector.broadcast %jit3A_421 : f32 to vector<1x4096xf32>
    %select_n3A_423 = arith.select %lt3A_75, %add3A_420, %broadcast_in_dim3A_422 : vector<1x4096xi1>, vector<1x4096xf32>
    %reduce_sum3A_424 = vector.shape_cast %select_n3A_423 : vector<1x4096xf32> to vector<1x1x4096xf32>
    %reduce_sum3A_425 = arith.constant dense<0.000000e+00> : vector<1xf32>
    %reduce_sum3A_426 = vector.multi_reduction <add>, %reduce_sum3A_424, %reduce_sum3A_425 [1, 2] : vector<1x1x4096xf32> to vector<1xf32>
    %reduce_sum3A_427 = vector.shape_cast %reduce_sum3A_426 : vector<1xf32> to vector<1x1x1xf32>
    %reduce_sum3A_428 = vector.extract %reduce_sum3A_427[0, 0, 0] : f32 from vector<1x1x1xf32>
    %add3A_429 = arith.addf %add3A_369, %reduce_sum3A_428 : f32
    %slice3A_430 = vector.extract_strided_slice %convert_element_type3A_38 {offsets = [96, 0], sizes = [16, 4096], strides = [1, 1]} : vector<128x4096xbf16> to vector<16x4096xbf16>
    %slice3A_431 = vector.extract_strided_slice %convert_element_type3A_33 {offsets = [96, 0], sizes = [16, 4096], strides = [1, 1]} : vector<128x4096xbf16> to vector<16x4096xbf16>
    %dot_general3A_432 = arith.constant dense<0.000000e+00> : vector<128x4096xf32>
    %dot_general3A_433 = tpu.matmul %convert_element_type3A, %slice3A_430, %dot_general3A_432 {dimension_numbers = #tpu.dot_dimension_numbers<[1], [0], [0], [1], [0, 0, 1, 1], [], []>, transpose_lhs_hint = false} : vector<128x16xbf16>, vector<16x4096xbf16>, vector<128x4096xf32> -> vector<128x4096xf32>
    %convert_element_type3A_434 = arith.truncf %dot_general3A_433 : vector<128x4096xf32> to vector<128x4096xbf16>
    %concatenate3A_435 = tpu.concatenate %slice3A_431, %slice3A_431, %slice3A_431, %slice3A_431, %slice3A_431, %slice3A_431, %slice3A_431, %slice3A_431 in 0 : vector<16x4096xbf16>, vector<16x4096xbf16>, vector<16x4096xbf16>, vector<16x4096xbf16>, vector<16x4096xbf16>, vector<16x4096xbf16>, vector<16x4096xbf16>, vector<16x4096xbf16> -> vector<128x4096xbf16>
    %mul3A_436 = arith.mulf %convert_element_type3A_434, %concatenate3A_435 : vector<128x4096xbf16>
    %dot_general3A_437 = arith.constant dense<0.000000e+00> : vector<8x4096xf32>
    %dot_general3A_438 = tpu.matmul %convert_element_type3A_67, %mul3A_436, %dot_general3A_437 {dimension_numbers = #tpu.dot_dimension_numbers<[1], [0], [0], [1], [0, 0, 1, 1], [], []>, transpose_lhs_hint = false} : vector<8x128xbf16>, vector<128x4096xbf16>, vector<8x4096xf32> -> vector<8x4096xf32>
    %get3A_439 = arith.constant 0 : index
    %get3A_440 = arith.constant 6 : index
    %get3A_441 = arith.constant 0 : index
    %get3A_442 = vector.load %arg3[%get3A_439, %get3A_440, %get3A_441] : memref<1x8x4096xi8, #tpu.memory_space<vmem>>, vector<1x1x4096xi8>
    %get3A_443 = vector.shape_cast %get3A_442 : vector<1x1x4096xi8> to vector<1x4096xi8>
    %convert_element_type3A_444 = arith.extsi %get3A_443 : vector<1x4096xi8> to vector<1x4096xi32>
    %eq3A_445 = vector.broadcast %convert_element_type3A_444 : vector<1x4096xi32> to vector<8x4096xi32>
    %eq3A_446 = arith.cmpi eq, %iota3A_68, %eq3A_445 : vector<8x4096xi32>
    %jit3A_447 = arith.constant 0.000000e+00 : f32
    %broadcast_in_dim3A_448 = vector.broadcast %jit3A_447 : f32 to vector<8x4096xf32>
    %select_n3A_449 = arith.select %eq3A_446, %dot_general3A_438, %broadcast_in_dim3A_448 : vector<8x4096xi1>, vector<8x4096xf32>
    %get3A_450 = arith.constant 0 : index
    %get3A_451 = arith.constant 0 : index
    %get3A_452 = vector.load %arg6[%get3A_450, %get3A_451] : memref<8x1xf32, #tpu.memory_space<vmem>>, vector<8x1xf32>
    %jit3A_453 = arith.constant 0.000000e+00 : f32
    %broadcast_in_dim3A_454 = vector.shape_cast %get3A_452 : vector<8x1xf32> to vector<8x1xf32>
    %broadcast_in_dim3A_455 = vector.broadcast %broadcast_in_dim3A_454 : vector<8x1xf32> to vector<8x4096xf32>
    %broadcast_in_dim3A_456 = vector.broadcast %jit3A_453 : f32 to vector<8x4096xf32>
    %select_n3A_457 = arith.select %eq3A_446, %broadcast_in_dim3A_455, %broadcast_in_dim3A_456 : vector<8x4096xi1>, vector<8x4096xf32>
    %reduce_sum3A_458 = arith.constant dense<0.000000e+00> : vector<4096xf32>
    %reduce_sum3A_459 = vector.multi_reduction <add>, %select_n3A_449, %reduce_sum3A_458 [0] : vector<8x4096xf32> to vector<4096xf32>
    %broadcast_in_dim3A_460 = vector.shape_cast %reduce_sum3A_459 : vector<4096xf32> to vector<1x4096xf32>
    %reduce_sum3A_461 = arith.constant dense<0.000000e+00> : vector<4096xf32>
    %reduce_sum3A_462 = vector.multi_reduction <add>, %select_n3A_457, %reduce_sum3A_461 [0] : vector<8x4096xf32> to vector<4096xf32>
    %broadcast_in_dim3A_463 = vector.shape_cast %reduce_sum3A_462 : vector<4096xf32> to vector<1x4096xf32>
    %add3A_464 = arith.addf %broadcast_in_dim3A_460, %broadcast_in_dim3A_463 : vector<1x4096xf32>
    %neg3A_465 = arith.constant 0.000000e+00 : f32
    %neg3A_466 = vector.broadcast %neg3A_465 : f32 to vector<1x4096xf32>
    %neg3A_467 = arith.subf %neg3A_466, %add3A_464 : vector<1x4096xf32>
    %max3A_468 = arith.constant 0.000000e+00 : f32
    %max3A_469 = vector.broadcast %max3A_468 : f32 to vector<1x4096xf32>
    %max3A_470 = arith.maximumf %neg3A_467, %max3A_469 : vector<1x4096xf32>
    %abs3A_471 = math.absf %add3A_464 : vector<1x4096xf32>
    %neg3A_472 = arith.constant 0.000000e+00 : f32
    %neg3A_473 = vector.broadcast %neg3A_472 : f32 to vector<1x4096xf32>
    %neg3A_474 = arith.subf %neg3A_473, %abs3A_471 : vector<1x4096xf32>
    %exp3A_475 = math.exp %neg3A_474 : vector<1x4096xf32>
    %add3A_476 = arith.constant 1.000000e+00 : f32
    %add3A_477 = vector.broadcast %add3A_476 : f32 to vector<1x4096xf32>
    %add3A_478 = arith.addf %add3A_477, %exp3A_475 : vector<1x4096xf32>
    %log3A_479 = math.log %add3A_478 : vector<1x4096xf32>
    %add3A_480 = arith.addf %max3A_470, %log3A_479 : vector<1x4096xf32>
    %jit3A_481 = arith.constant 0.000000e+00 : f32
    %broadcast_in_dim3A_482 = vector.broadcast %jit3A_481 : f32 to vector<1x4096xf32>
    %select_n3A_483 = arith.select %lt3A_75, %add3A_480, %broadcast_in_dim3A_482 : vector<1x4096xi1>, vector<1x4096xf32>
    %reduce_sum3A_484 = vector.shape_cast %select_n3A_483 : vector<1x4096xf32> to vector<1x1x4096xf32>
    %reduce_sum3A_485 = arith.constant dense<0.000000e+00> : vector<1xf32>
    %reduce_sum3A_486 = vector.multi_reduction <add>, %reduce_sum3A_484, %reduce_sum3A_485 [1, 2] : vector<1x1x4096xf32> to vector<1xf32>
    %reduce_sum3A_487 = vector.shape_cast %reduce_sum3A_486 : vector<1xf32> to vector<1x1x1xf32>
    %reduce_sum3A_488 = vector.extract %reduce_sum3A_487[0, 0, 0] : f32 from vector<1x1x1xf32>
    %add3A_489 = arith.addf %add3A_429, %reduce_sum3A_488 : f32
    %slice3A_490 = vector.extract_strided_slice %convert_element_type3A_38 {offsets = [112, 0], sizes = [16, 4096], strides = [1, 1]} : vector<128x4096xbf16> to vector<16x4096xbf16>
    %slice3A_491 = vector.extract_strided_slice %convert_element_type3A_33 {offsets = [112, 0], sizes = [16, 4096], strides = [1, 1]} : vector<128x4096xbf16> to vector<16x4096xbf16>
    %dot_general3A_492 = arith.constant dense<0.000000e+00> : vector<128x4096xf32>
    %dot_general3A_493 = tpu.matmul %convert_element_type3A, %slice3A_490, %dot_general3A_492 {dimension_numbers = #tpu.dot_dimension_numbers<[1], [0], [0], [1], [0, 0, 1, 1], [], []>, transpose_lhs_hint = false} : vector<128x16xbf16>, vector<16x4096xbf16>, vector<128x4096xf32> -> vector<128x4096xf32>
    %convert_element_type3A_494 = arith.truncf %dot_general3A_493 : vector<128x4096xf32> to vector<128x4096xbf16>
    %concatenate3A_495 = tpu.concatenate %slice3A_491, %slice3A_491, %slice3A_491, %slice3A_491, %slice3A_491, %slice3A_491, %slice3A_491, %slice3A_491 in 0 : vector<16x4096xbf16>, vector<16x4096xbf16>, vector<16x4096xbf16>, vector<16x4096xbf16>, vector<16x4096xbf16>, vector<16x4096xbf16>, vector<16x4096xbf16>, vector<16x4096xbf16> -> vector<128x4096xbf16>
    %mul3A_496 = arith.mulf %convert_element_type3A_494, %concatenate3A_495 : vector<128x4096xbf16>
    %dot_general3A_497 = arith.constant dense<0.000000e+00> : vector<8x4096xf32>
    %dot_general3A_498 = tpu.matmul %convert_element_type3A_67, %mul3A_496, %dot_general3A_497 {dimension_numbers = #tpu.dot_dimension_numbers<[1], [0], [0], [1], [0, 0, 1, 1], [], []>, transpose_lhs_hint = false} : vector<8x128xbf16>, vector<128x4096xbf16>, vector<8x4096xf32> -> vector<8x4096xf32>
    %get3A_499 = arith.constant 0 : index
    %get3A_500 = arith.constant 7 : index
    %get3A_501 = arith.constant 0 : index
    %get3A_502 = vector.load %arg3[%get3A_499, %get3A_500, %get3A_501] : memref<1x8x4096xi8, #tpu.memory_space<vmem>>, vector<1x1x4096xi8>
    %get3A_503 = vector.shape_cast %get3A_502 : vector<1x1x4096xi8> to vector<1x4096xi8>
    %convert_element_type3A_504 = arith.extsi %get3A_503 : vector<1x4096xi8> to vector<1x4096xi32>
    %eq3A_505 = vector.broadcast %convert_element_type3A_504 : vector<1x4096xi32> to vector<8x4096xi32>
    %eq3A_506 = arith.cmpi eq, %iota3A_68, %eq3A_505 : vector<8x4096xi32>
    %jit3A_507 = arith.constant 0.000000e+00 : f32
    %broadcast_in_dim3A_508 = vector.broadcast %jit3A_507 : f32 to vector<8x4096xf32>
    %select_n3A_509 = arith.select %eq3A_506, %dot_general3A_498, %broadcast_in_dim3A_508 : vector<8x4096xi1>, vector<8x4096xf32>
    %get3A_510 = arith.constant 0 : index
    %get3A_511 = arith.constant 0 : index
    %get3A_512 = vector.load %arg6[%get3A_510, %get3A_511] : memref<8x1xf32, #tpu.memory_space<vmem>>, vector<8x1xf32>
    %jit3A_513 = arith.constant 0.000000e+00 : f32
    %broadcast_in_dim3A_514 = vector.shape_cast %get3A_512 : vector<8x1xf32> to vector<8x1xf32>
    %broadcast_in_dim3A_515 = vector.broadcast %broadcast_in_dim3A_514 : vector<8x1xf32> to vector<8x4096xf32>
    %broadcast_in_dim3A_516 = vector.broadcast %jit3A_513 : f32 to vector<8x4096xf32>
    %select_n3A_517 = arith.select %eq3A_506, %broadcast_in_dim3A_515, %broadcast_in_dim3A_516 : vector<8x4096xi1>, vector<8x4096xf32>
    %reduce_sum3A_518 = arith.constant dense<0.000000e+00> : vector<4096xf32>
    %reduce_sum3A_519 = vector.multi_reduction <add>, %select_n3A_509, %reduce_sum3A_518 [0] : vector<8x4096xf32> to vector<4096xf32>
    %broadcast_in_dim3A_520 = vector.shape_cast %reduce_sum3A_519 : vector<4096xf32> to vector<1x4096xf32>
    %reduce_sum3A_521 = arith.constant dense<0.000000e+00> : vector<4096xf32>
    %reduce_sum3A_522 = vector.multi_reduction <add>, %select_n3A_517, %reduce_sum3A_521 [0] : vector<8x4096xf32> to vector<4096xf32>
    %broadcast_in_dim3A_523 = vector.shape_cast %reduce_sum3A_522 : vector<4096xf32> to vector<1x4096xf32>
    %add3A_524 = arith.addf %broadcast_in_dim3A_520, %broadcast_in_dim3A_523 : vector<1x4096xf32>
    %neg3A_525 = arith.constant 0.000000e+00 : f32
    %neg3A_526 = vector.broadcast %neg3A_525 : f32 to vector<1x4096xf32>
    %neg3A_527 = arith.subf %neg3A_526, %add3A_524 : vector<1x4096xf32>
    %max3A_528 = arith.constant 0.000000e+00 : f32
    %max3A_529 = vector.broadcast %max3A_528 : f32 to vector<1x4096xf32>
    %max3A_530 = arith.maximumf %neg3A_527, %max3A_529 : vector<1x4096xf32>
    %abs3A_531 = math.absf %add3A_524 : vector<1x4096xf32>
    %neg3A_532 = arith.constant 0.000000e+00 : f32
    %neg3A_533 = vector.broadcast %neg3A_532 : f32 to vector<1x4096xf32>
    %neg3A_534 = arith.subf %neg3A_533, %abs3A_531 : vector<1x4096xf32>
    %exp3A_535 = math.exp %neg3A_534 : vector<1x4096xf32>
    %add3A_536 = arith.constant 1.000000e+00 : f32
    %add3A_537 = vector.broadcast %add3A_536 : f32 to vector<1x4096xf32>
    %add3A_538 = arith.addf %add3A_537, %exp3A_535 : vector<1x4096xf32>
    %log3A_539 = math.log %add3A_538 : vector<1x4096xf32>
    %add3A_540 = arith.addf %max3A_530, %log3A_539 : vector<1x4096xf32>
    %jit3A_541 = arith.constant 0.000000e+00 : f32
    %broadcast_in_dim3A_542 = vector.broadcast %jit3A_541 : f32 to vector<1x4096xf32>
    %select_n3A_543 = arith.select %lt3A_75, %add3A_540, %broadcast_in_dim3A_542 : vector<1x4096xi1>, vector<1x4096xf32>
    %reduce_sum3A_544 = vector.shape_cast %select_n3A_543 : vector<1x4096xf32> to vector<1x1x4096xf32>
    %reduce_sum3A_545 = arith.constant dense<0.000000e+00> : vector<1xf32>
    %reduce_sum3A_546 = vector.multi_reduction <add>, %reduce_sum3A_544, %reduce_sum3A_545 [1, 2] : vector<1x1x4096xf32> to vector<1xf32>
    %reduce_sum3A_547 = vector.shape_cast %reduce_sum3A_546 : vector<1xf32> to vector<1x1x1xf32>
    %reduce_sum3A_548 = vector.extract %reduce_sum3A_547[0, 0, 0] : f32 from vector<1x1x1xf32>
    %add3A_549 = arith.addf %add3A_489, %reduce_sum3A_548 : f32
    %eq3A_550 = arith.constant 0 : i32
    %eq3A_551 = arith.cmpi eq, %arg0, %eq3A_550 : i32
    %convert_element_type3A_552 = arith.extui %eq3A_551 : i1 to i32
    %cond3A = arith.constant 0 : i32
    %cond3A_553 = arith.cmpi ne, %convert_element_type3A_552, %cond3A : i32
    scf.if %cond3A_553 {
      %broadcast_in_dim3A_565 = arith.constant 0.000000e+00 : f32
      %broadcast_in_dim3A_566 = vector.broadcast %broadcast_in_dim3A_565 : f32 to vector<1x1xf32>
      %swap3A_567 = arith.constant 0 : index
      %swap3A_568 = arith.constant 0 : index
      %swap3A_569 = vector.load %arg7[%swap3A_567, %swap3A_568] : memref<1x1xf32, #tpu.memory_space<vmem>>, vector<1x1xf32>
      tpu.vector_store %arg7[%swap3A_567, %swap3A_568], %broadcast_in_dim3A_566 {strides = array<i32>} : memref<1x1xf32, #tpu.memory_space<vmem>>, vector<1x1xf32>,
    } else {
    }
    %get3A_554 = arith.constant 0 : index
    %get3A_555 = arith.constant 0 : index
    %get3A_556 = vector.load %arg7[%get3A_554, %get3A_555] : memref<1x1xf32, #tpu.memory_space<vmem>>, vector<1x1xf32>
    %reshape3A = vector.broadcast %add3A_549 : f32 to vector<1x1xf32>
    %add3A_557 = arith.addf %get3A_556, %reshape3A : vector<1x1xf32>
    %swap3A = arith.constant 0 : index
    %swap3A_558 = arith.constant 0 : index
    %swap3A_559 = vector.load %arg7[%swap3A, %swap3A_558] : memref<1x1xf32, #tpu.memory_space<vmem>>, vector<1x1xf32>
    tpu.vector_store %arg7[%swap3A, %swap3A_558], %add3A_557 {strides = array<i32>} : memref<1x1xf32, #tpu.memory_space<vmem>>, vector<1x1xf32>,
    %eq3A_560 = arith.constant 24 : i32
    %eq3A_561 = arith.cmpi eq, %arg0, %eq3A_560 : i32
    %convert_element_type3A_562 = arith.extui %eq3A_561 : i1 to i32
    %cond3A_563 = arith.constant 0 : i32
    %cond3A_564 = arith.cmpi ne, %convert_element_type3A_562, %cond3A_563 : i32
    scf.if %cond3A_564 {
      %get3A_565 = arith.constant 0 : index
      %get3A_566 = arith.constant 0 : index
      %get3A_567 = vector.load %arg7[%get3A_565, %get3A_566] : memref<1x1xf32, #tpu.memory_space<vmem>>, vector<1x1xf32>
      %mul3A_568 = arith.constant 1.250000e-06 : f32
      %mul3A_569 = vector.broadcast %mul3A_568 : f32 to vector<1x1xf32>
      %mul3A_570 = arith.mulf %get3A_567, %mul3A_569 : vector<1x1xf32>
      %swap3A_571 = arith.constant 0 : index
      %swap3A_572 = arith.constant 0 : index
      %swap3A_573 = vector.load %arg7[%swap3A_571, %swap3A_572] : memref<1x1xf32, #tpu.memory_space<vmem>>, vector<1x1xf32>
      tpu.vector_store %arg7[%swap3A_571, %swap3A_572], %mul3A_570 {strides = array<i32>} : memref<1x1xf32, #tpu.memory_space<vmem>>, vector<1x1xf32>,
    } else {
    }
    return
  }
  func.func @transform_0(%arg0: i32) -> (i32, i32) {
    %c0_i32 = arith.constant 0 : i32
    %c0_i32_0 = arith.constant 0 : i32
    return %arg0, %c0_i32 : i32, i32
  }
  func.func @transform_1(%arg0: i32) -> (i32, i32) {
    %c0_i32 = arith.constant 0 : i32
    %c0_i32_0 = arith.constant 0 : i32
    return %arg0, %c0_i32 : i32, i32
  }
  func.func @transform_2(%arg0: i32) -> (i32, i32, i32) {
    %c0_i32 = arith.constant 0 : i32
    %c0_i32_0 = arith.constant 0 : i32
    %c0_i32_1 = arith.constant 0 : i32
    return %arg0, %c0_i32, %c0_i32_0 : i32, i32, i32
  }
  func.func @transform_3(%arg0: i32) -> (i32, i32) {
    %c0_i32 = arith.constant 0 : i32
    %c0_i32_0 = arith.constant 0 : i32
    %c0_i32_1 = arith.constant 0 : i32
    return %c0_i32, %c0_i32_0 : i32, i32
  }
  func.func @transform_4(%arg0: i32) -> (i32, i32) {
    %c0_i32 = arith.constant 0 : i32
    %c0_i32_0 = arith.constant 0 : i32
    %c0_i32_1 = arith.constant 0 : i32
    return %c0_i32, %c0_i32_0 : i32, i32
  }
  func.func @transform_5(%arg0: i32) -> (i32, i32) {
    %c0_i32 = arith.constant 0 : i32
    %c0_i32_0 = arith.constant 0 : i32
    %c0_i32_1 = arith.constant 0 : i32
    return %c0_i32, %c0_i32_0 : i32, i32
  }
  func.func @transform_6(%arg0: i32) -> (i32, i32) {
    %c0_i32 = arith.constant 0 : i32
    %c0_i32_0 = arith.constant 0 : i32
    %c0_i32_1 = arith.constant 0 : i32
    return %c0_i32, %c0_i32_0 : i32, i32
  }
}

</mosaic_0001>

<sc_bundles>
// kernel: kernel.4.cloned.1.call-start
scs
__scs_entry_jumppad:
0x0: {  	(pc) =	sbr.rel $0x88, $3  }
0x1: {  	(tag) =	ssettag $0x0;
	lr =	simm.s32 $0x1  }
0x2: {  	[smem:$0x3F9B] =	sst lr;
	_ =	strace $0xD0000000  }
0x3: {  	_ = 	snop  }
0x4: {  	_ = 	snop  }
0x5: {  	_ = 	snop  }
0x6: {  	_ = 	snop  }
0x7: {  	_ = 	snop  }
__scs_overlays_trampoline_lowered:
0x8: {  	[smem:$0x3FAA] =	sst s0  }
0x9: {  	[smem:$0x3FAB] =	sst s1  }
0xa: {  	[smem:$0x3FAC] =	sst s2  }
0xb: {  	[smem:$0x3FAD] =	sst s3  }
0xc: {  	[smem:$0x3FAE] =	sst s4  }
0xd: {  	[smem:$0x3FAF] =	sst s5  }
0xe: {  	[smem:$0x3FB0] =	sst s6  }
0xf: {  	[smem:$0x3FB1] =	sst s7  }
0x10: {  	[smem:$0x3FB2] =	sst s8  }
0x11: {  	[smem:$0x3FB3] =	sst s9;
	s0 =	simm.s32 @!p0 $0x0  }
0x12: {  	s1 =	sld [smem:$0x3F99];
	s0 =	simm.s32 @p0 $0x1  }
0x13: {  	[smem:$0x3FB4] =	sst s0;
	s0 =	simm.s32 @!p1 $0x0  }
0x14: {  	s2 =	sld [smem:$0x3F98];
	s0 =	simm.s32 @p1 $0x1  }
0x15: {  	[smem:$0x3FB5] =	sst s0;
	s0 =	simm.s32 @!p2 $0x0  }
0x16: {  	s3 =	sld [smem:$0x3FDB];
	s0 =	simm.s32 @p2 $0x1  }
0x17: {  	s4 =	simm.s32 $0x1BF5;
	[smem:$0x3FB7] =	sst s0  }
0x18: {  	s0 =	sld [smem:$0x3F9A];
	_ =	swait.ge [sflag:s4], $0x0  }
0x19: {  	s7 =	sld [smem:$0x3F9B]  }
0x1a: {  	s8 =	sadd.s32 $0xFFFFE003, lr  }
0x1b: {  	s9 =	sadd.s32 $0xFFFFFEF7, lr;
	s5 =	simm.s32 $0xFFFFFFFF;
	p2 =	slt.u32 s8, $0xFFFFF086  }
0x1c: {  	p1 =	slt.u32 s9, $0xF7A;
	s5 =	simm.s32 @!p2 $0x0  }
0x1d: {  	s5 =	simm.s32 @p1 $0x1;
	p0 =	seq.s32 s7, s2  }
0x1e: {  	s7 =	smul.u32 @!p0 $0xF7A, s2;
	p2 =	seq.s32 @!p0 s5, $0x0  }
0x1f: {  	s9 =	smul.u32 $0xF7A, s1;
	s8 =	simm.s32 @!p0 $0x1BF5;
	p2 =	por !p2, p0  }
0x20: {  	[sflag:s8] =	ssyncset.s32 @!p0 $0xFFFFF086;
	s6 =	sadd.s32 @!p0 s3, s7;
	s7 =	simm.s32 @!p0 $0x108  }
0x21: {  	s3 =	sadd.s32 s3, s9;
	s6 =	sadd.s32 @!p0 $0x88, s6;
	s7 =	simm.s32 @p2 $0x1082  }
0x22: {  	[simem:s7], [sflag:s8] =	dma.local @!p0 [hbm:s6], $0xF7A  }
0x23: {  	s9 =	sor.u32 $0xD0000000, s2;
	s6 =	simm.s32 $0x108;
	_ =	swait.ge @!p0 [sflag:s8], $0x0  }
0x24: {  	s3 =	sadd.s32 $0x88, s3;
	s6 =	simm.s32 @!p1 $0x1082;
	[sflag:s4] =	ssyncset.s32 $0xFFFFF086  }
0x25: {  	[simem:s6], [sflag:s4] =	dma.local [hbm:s3], $0xF7A  }
0x26: {  	[smem:$0x3F9B] =	sst s1;
	(tag) =	ssettag s2;
	_ =	strace s9  }
0x27: {  	s1 =	sld [smem:$0x3FAB]  }
0x28: {  	s2 =	sld [smem:$0x3FAC]  }
0x29: {  	s4 =	sld [smem:$0x3FAE]  }
0x2a: {  	p0 =	seq.s32 s5, $0x0;
	s5 =	sld [smem:$0x3FAF]  }
0x2b: {  	s6 =	sld [smem:$0x3FB0]  }
0x2c: {  	s7 =	sld [smem:$0x3FB1]  }
0x2d: {  	s3 =	simm.s32 $0x108;
	s8 =	sld [smem:$0x3FB2]  }
0x2e: {  	s3 =	simm.s32 @!p0 $0x1082;
	s9 =	sld [smem:$0x3FB3]  }
0x2f: {  	lr =	sadd.s32 s0, s3;
	s0 =	sld [smem:$0x3FAA]  }
0x30: {  	s3 =	sld [smem:$0x3FAD]  }
0x31: {  	[smem:$0x3FB6] =	sst s10  }
0x32: {  	s10 =	sld [smem:$0x3FB4];
	_ =	sdelay $0x3  }
0x33: {  	p0 =	seq.s32 s10, $0x1;
	s10 =	sld [smem:$0x3FB6];
	_ =	sdelay $0x3  }
0x34: {  	[smem:$0x3FB6] =	sst s10  }
0x35: {  	s10 =	sld [smem:$0x3FB5];
	_ =	sdelay $0x3  }
0x36: {  	p1 =	seq.s32 s10, $0x1;
	s10 =	sld [smem:$0x3FB6];
	_ =	sdelay $0x3  }
0x37: {  	[smem:$0x3FB6] =	sst s10  }
0x38: {  	s10 =	sld [smem:$0x3FB7]  }
0x39: {  	_ = 	snop;
	(pc) =	sbr.ind lr, $3  }
0x3a: {  	_ = 	snop  }
0x3b: {  	_ = 	snop  }
0x3c: {  	p2 =	seq.s32 s10, $0x1;
	s10 =	sld [smem:$0x3FB6]  }
0x3d: {  	_ =	shalt  }
0x3e: {  	_ =	shalt  }
0x3f: {  	_ =	shalt  }
0x40: {  	_ =	shalt  }
0x41: {  	_ =	shalt  }
0x42: {  	_ =	shalt  }
0x43: {  	_ =	shalt  }
0x44: {  	_ =	shalt  }
0x45: {  	_ =	shalt  }
0x46: {  	_ =	shalt  }
0x47: {  	_ =	shalt  }
0x48: {  	_ =	shalt  }
0x49: {  	_ =	shalt  }
0x4a: {  	_ =	shalt  }
0x4b: {  	_ =	shalt  }
0x4c: {  	_ =	shalt  }
0x4d: {  	_ =	shalt  }
0x4e: {  	_ =	shalt  }
0x4f: {  	_ =	shalt  }
0x50: {  	_ =	shalt  }
0x51: {  	_ =	shalt  }
0x52: {  	_ =	shalt  }
0x53: {  	_ =	shalt  }
0x54: {  	_ =	shalt  }
0x55: {  	_ =	shalt  }
0x56: {  	_ =	shalt  }
0x57: {  	_ =	shalt  }
0x58: {  	_ =	shalt  }
0x59: {  	_ =	shalt  }
0x5a: {  	_ =	shalt  }
0x5b: {  	_ =	shalt  }
0x5c: {  	_ =	shalt  }
0x5d: {  	_ =	shalt  }
0x5e: {  	_ =	shalt  }
0x5f: {  	_ =	shalt  }
0x60: {  	_ =	shalt  }
0x61: {  	_ =	shalt  }
0x62: {  	_ =	shalt  }
0x63: {  	_ =	shalt  }
0x64: {  	_ =	shalt  }
0x65: {  	_ =	shalt  }
0x66: {  	_ =	shalt  }
0x67: {  	_ =	shalt  }
0x68: {  	_ =	shalt  }
0x69: {  	_ =	shalt  }
0x6a: {  	_ =	shalt  }
0x6b: {  	_ =	shalt  }
0x6c: {  	_ =	shalt  }
0x6d: {  	_ =	shalt  }
0x6e: {  	_ =	shalt  }
0x6f: {  	_ =	shalt  }
0x70: {  	_ =	shalt  }
0x71: {  	_ =	shalt  }
0x72: {  	_ =	shalt  }
0x73: {  	_ =	shalt  }
0x74: {  	_ =	shalt  }
0x75: {  	_ =	shalt  }
0x76: {  	_ =	shalt  }
0x77: {  	_ =	shalt  }
0x78: {  	_ =	shalt  }
0x79: {  	_ =	shalt  }
0x7a: {  	_ =	shalt  }
0x7b: {  	_ =	shalt  }
0x7c: {  	_ =	shalt  }
0x7d: {  	_ =	shalt  }
0x7e: {  	_ =	shalt  }
0x7f: {  	_ =	shalt  }
0x80: {  	_ =	shalt  }
0x81: {  	_ =	shalt  }
0x82: {  	_ =	shalt  }
0x83: {  	_ =	shalt  }
0x84: {  	_ =	shalt  }
0x85: {  	_ =	shalt  }
0x86: {  	_ =	shalt  }
0x87: {  	_ =	shalt  }
.Lfunc_end0:
.L_simem_size_0:
called_computation_lowered:
.L_overlay_start_0:
0x88: {  	s2 =	sld [smem:$0x3FD9]  }
0x89: {  	s3 =	sld [smem:$0x3FFE];
	_ =	sdelay $0x1  }
0x8a: {  	s1 =	srdreg.scid  }
0x8b: {  	s0 =	sand.u32 $0x1, s1  }
0x8c: {  	s16 =	sshll.u32 s0, $0xA;
	s2 =	sadd.s32 s3, s2  }
0x8d: {  	s2 =	sadd.s32 s2, s16  }
0x8e: {  	[smem:$0x3FC2] =	sst s2  }
0x8f: {  	_ = 	snop  }
0x90: {  	(tm) =	ssettm $0x1  }
0x91: {  	s17 =	sld [smem:$0x3FFB];
	_ =	sdelay $0x3  }
0x92: {  	_ =	strace s17  }
0x93: {  	s2 =	sld [smem:$0x3FFC];
	_ =	sdelay $0x3  }
0x94: {  	_ =	strace s2  }
0x95: {  	s2 =	sld [smem:$0x3FFD];
	_ =	sdelay $0x3  }
0x96: {  	_ =	strace s2  }
0x97: {  	_ =	strace $0x8FFFFFFF  }
0x98: {  	s18 =	sld [smem:$0x3FDB];
	_ =	sdelay $0x1  }
0x99: {  	s19 =	simm.s32 $_scs_section_size  }
0x9a: {  	s4 =	simm.s32 $_size__tile_overlayer_lowered;
	s5 =	simm.s32 $_tile_overlayer_lowered  }
0x9b: {  	s22 =	simm.s32 $0x1BFF;
	s21 =	sshll.u32 s5, $0x1;
	s2 =	sadd.s32 s19, s18  }
0x9c: {  	s6 =	simm.s32 $0x0;
	s20 =	sshll.u32 s4, $0x1;
	s4 =	sadd.s32 s21, s2  }
0x9d: {  	[timem:s6], [sflag:s22] =	dma.local [hbm:s4], s20  }
0x9e: {  	_ =	swait.ge [sflag:s22], s20  }
0x9f: {  	s3 =	ssub.s32 $0x0, s20;
	[sflag:s22] =	ssyncset.done $0x0  }
0xa0: {  	[sflag:s22] =	ssyncadd.s32 s3;
	_ =	sdelay $0x1  }
0xa1: {  	s23 =	simm.s32 $0x1B8B  }
0xa2: {  	_ =	swait.ge [sflag:s23], $0x1  }
0xa3: {  	[sflag:s23] =	ssyncset.done $0x0  }
0xa4: {  	s25 =	simm.s32 $0x1B8E;
	s24 =	sld [smem:$0x3FFE];
	[sflag:s23] =	ssyncadd.s32 $0xFFFFFFFF  }
0xa5: {  	s26 =	simm.s32 $execute0_lowered;
	[smem:$0x3FD2] =	sst s25  }
0xa6: {  	s4 =	sshll.u32 s26, $0x1;
	_ =	strace $0x80000046;
	[dreg:$0x1] =	wrdreg $0xFFFFFFFF  }
0xa7: {  	s28 =	simm.s32 $_size_execute0_lowered;
	s2 =	sadd.s32 s2, s4;
	[dreg:$0x0] =	wrdreg $0x0  }
0xa8: {  	s4 =	sshll.u32 s28, $0x1;
	[dreg:$0x2] =	wrdreg s2  }
0xa9: {  	[dreg:$0x3] =	wrdreg s4  }
0xaa: {  	[dreg:$0x4] =	wrdreg $0xC0  }
0xab: {  	_ =	task [dreg:s6], $0x5FFFF  }
0xac: {  	[dreg:$0x1] =	wrdreg $0xFFFFFFFF  }
0xad: {  	[dreg:$0x0] =	wrdreg $0x60  }
0xae: {  	[dreg:$0x2] =	wrdreg s24  }
0xaf: {  	[dreg:$0x3] =	wrdreg $0x9  }
0xb0: {  	_ =	task.clear_ibuf [dreg:s6], $0x4FFFF;
	_ =	strace $0x90000046  }
0xb1: {  	s29 =	simm.s32 $0x9;
	_ =	strace $0x80000048  }
0xb2: {  	_ =	swait.ge [sflag:s29], $0x1  }
0xb3: {  	[sflag:s29] =	ssyncadd.s32 $0xFFFFFFFF  }
0xb4: {  	_ =	strace $0x90000048  }
0xb5: {  	_ =	sfence  }
0xb6: {  	s30 =	sld [smem:$0x0];
	_ =	sdelay $0x2  }
0xb7: {  	s31 =	sshll.u32 s1, $0xD;
	s1 =	sshrl.u32 s1, $0x2  }
0xb8: {  	s3 =	sand.u32 $0x4000, s31;
	s1 =	sadd.s32 s1, s30  }
0xb9: {  	s0 =	sor.u32 s3, s0;
	s1 =	sshll.u32 s1, $0x11  }
0xba: {  	s0 =	sor.u32 s1, s0  }
0xbb: {  	s0 =	sadd.s32 $0x8F2B, s0  }
0xbc: {  	[sflag:s0] =	ssyncadd.remote.s32 $0x1  }
0xbd: {  	_ =	sfence.sel $0xFFFF  }
0xbe: {  	[dreg:$0x0] =	wrdreg $0xFFFFFFFF;
	(pc) =	sbr.abs _section_cstart, $3  }
0xbf: {  	[dreg:$0x1] =	wrdreg $0xFFFFFFFF  }
0xc0: {  	_ =	task.clear_ibuf [dreg:s6], $0x2FFFF;
	_ =	strace $0x9FFFFFFF  }
0xc1: {  	(tm) =	ssettm $0x7FFFFFFF  }
tec
execute0_lowered:
.L_overlay_start_1:
0x0: {  	(tag) =	ssettag $0x1  }
0x1: {  	s0 =	srdreg.scid;
	s8 =	stileid.u32  }
0x2: {  	s1 =	rddreg [dreg:$0x0];
	s2 =	simm.s32 $0x0;
	s17 =	simm.s32 $0x80  }
0x3: {  	s18 =	simm.s32 $0xC800;
	s29 =	simm.s32 $0xE000;
	s31 =	simm.s32 $0x12000  }
0x4: {  	s28 =	simm.s32 $0xF000;
	s30 =	simm.s32 $0x10000;
	s11 =	simm.s32 $0x0  }
0x5: {  	s0 =	sand.u32 $0x1, s0;
	s3 =	sshll.u32 s8, $0x1;
	s20 =	smul.u32 $0xC8000, s8  }
0x6: {  	[smem:$0x7FF] =	sst s2;
	s9 =	sadd.s32 $0x4B200, s1;
	s8 =	smul.u32 $0xC800, s8  }
0x7: {  	s10 =	sadd.s32 $0x1DB200, s1;
	s4 =	sor.u32 s0, s3;
	s23 =	smul.u32 $0x6400, s0  }
0x8: {  	_ =	strace $0x80000047;
	s6 =	ssub.s32 $0x2, s0;
	s0 =	smul.u32 $0x64000, s0  }
0x9: {  	s3 =	sadd.s32 $0x32A00, s1;
	[dreg:$0x2] =	wrdreg s9;
	s5 =	smul.u32 $0xC80, s4  }
0xa: {  	[dreg:$0x3] =	wrdreg s10;
	s4 =	smul.u32 $0x64000, s4;
	s19 =	sshrl.u32 s6, $0x1  }
0xb: {  	s25 =	sadd.s32 s23, s8;
	s0 =	sadd.s32 s0, s20;
	s20 =	simm.s32 $0xD000  }
0xc: {  	s23 =	simm.s32 $0x12800;
	s8 =	simm.s32 $0x3;
	s5 =	sadd.s32 s5, s1  }
0xd: {  	s1 =	ssub.s32 s6, s19;
	s4 =	sshrl.u32 s4, $0x3;
	s26 =	sshll.u32 s25, $0x1  }
0xe: {  	s13 =	sshrl.u32 s0, $0x3;
	s19 =	simm.s32 $0x10800;
	s0 =	simm.s32 $0xE800  }
0xf: {  	s25 =	simm.s32 $0xF800;
	s6 =	simm.s32 $0x14000;
	s7 =	sadd.s32 $0x19A00, s5  }
0x10: {  	s21 =	sadd.s32 $0xC000, s4;
	s5 =	sadd.s32 $0xA00, s5;
	[dreg:$0x4] =	wrdreg s7  }
0x11: {  	s4 =	sadd.s32 $0xC400, s4;
	s1 =	smax.u32 s1, $0x1;
	[dreg:$0x5] =	wrdreg s5  }
0x12: {  	s14 =	sor.u32 $0x400, s26;
	s22 =	sadd.s32 s9, s21;
	[dreg:$0xa] =	wrdreg s1  }
0x13: {  	s26 =	simm.s32 $0x11800;
	s7 =	sadd.s32 s10, s21;
	[dreg:$0x6] =	wrdreg s22  }
0x14: {  	s24 =	sadd.s32 s9, s4;
	s4 =	sadd.s32 s10, s4;
	[dreg:$0x7] =	wrdreg s7  }
0x15: {  	s1 =	simm.s32 $0x13000;
	s21 =	simm.s32 $0x13800;
	[dreg:$0x8] =	wrdreg s24  }
0x16: {  	s9 =	simm.s32 $0x2;
	s10 =	simm.s32 $0x4;
	[dreg:$0x9] =	wrdreg s4  }
0x17: {  	s22 =	simm.s32 $0x11000;
	s24 =	simm.s32 $0xD800;
	s7 =	simm.s32 $0x1  }
.LBB2_1:
0x18: {  	s4 =	rddreg [dreg:$0x4];
	s5 =	simm.s32 $0x5  }
0x19: {  	[tilespmem:s2], [sflag:$0x5] =	stream.linear.gather [hbm4b:s4+s2], $0x6400, $0x38;
	[tilespmem:$0x14800] =	vst v63  }
0x1a: {  	_ =	swait.ge [sflag:s5], $0x6400  }
0x1b: {  	[sflag:s5] =	ssyncset.done $0x0  }
0x1c: {  	s12 =	simm.s32 $0x6400;
	s16 =	rddreg [dreg:$0x5];
	[sflag:s5] =	ssyncadd.s32 $0xFFFF9C00  }
0x1d: {  	[tilespmem:s12], [sflag:$0x5] =	stream.linear.gather [hbm4b:s16+s2], $0x6400, $0x38;
	[tilespmem:$0x14800] =	vst v63  }
0x1e: {  	_ =	swait.ge [sflag:s5], $0x6400  }
0x1f: {  	[sflag:s5] =	ssyncset.done $0x0  }
0x20: {  	[sflag:s5] =	ssyncadd.s32 $0xFFFF9C00  }
0x21: {  	[tilespmem:s18], [sflag:$0x1] =	stream.indirect.gather [hbm4b:s3+s17], $0x10, s2, s17, $0xb8;
	[tilespmem:$0x14800] =	vst v63  }
0x22: {  	_ = 	snop  }
0x23: {  	[tilespmem:s19], [sflag:$0x1] =	stream.indirect.gather [hbm4b:s3+s17], $0x10, s12, s17, $0xb8;
	[tilespmem:$0x14800] =	vst v63  }
0x24: {  	_ = 	snop  }
0x25: {  	[tilespmem:s20], [sflag:$0x1] =	stream.indirect.gather [hbm4b:s3+s17], $0x10, s17, s17, $0xb8;
	[tilespmem:$0x14800] =	vst v63  }
0x26: {  	s15 =	simm.s32 $0x6480  }
0x27: {  	[tilespmem:s22], [sflag:$0x1] =	stream.indirect.gather [hbm4b:s3+s17], $0x10, s15, s17, $0xb8;
	[tilespmem:$0x14800] =	vst v63  }
0x28: {  	s16 =	simm.s32 $0x100  }
0x29: {  	[tilespmem:s24], [sflag:$0x1] =	stream.indirect.gather [hbm4b:s3+s17], $0x10, s16, s17, $0xb8;
	[tilespmem:$0x14800] =	vst v63  }
0x2a: {  	s5 =	simm.s32 $0x6500  }
0x2b: {  	[tilespmem:s26], [sflag:$0x1] =	stream.indirect.gather [hbm4b:s3+s17], $0x10, s5, s17, $0xb8;
	[tilespmem:$0x14800] =	vst v63  }
0x2c: {  	s12 =	simm.s32 $0x180  }
0x2d: {  	[tilespmem:s29], [sflag:$0x1] =	stream.indirect.gather [hbm4b:s3+s17], $0x10, s12, s17, $0xb8;
	[tilespmem:$0x14800] =	vst v63  }
0x2e: {  	s15 =	simm.s32 $0x6580  }
0x2f: {  	[tilespmem:s31], [sflag:$0x1] =	stream.indirect.gather [hbm4b:s3+s17], $0x10, s15, s17, $0xb8;
	[tilespmem:$0x14800] =	vst v63  }
0x30: {  	s16 =	simm.s32 $0x200  }
0x31: {  	[tilespmem:s0], [sflag:$0x2] =	stream.indirect.gather [hbm4b:s3+s17], $0x10, s16, s17, $0xb8;
	[tilespmem:$0x14800] =	vst v63  }
0x32: {  	s5 =	simm.s32 $0x6600  }
0x33: {  	[tilespmem:s23], [sflag:$0x2] =	stream.indirect.gather [hbm4b:s3+s17], $0x10, s5, s17, $0xb8;
	[tilespmem:$0x14800] =	vst v63  }
0x34: {  	s12 =	simm.s32 $0x280  }
0x35: {  	[tilespmem:s28], [sflag:$0x2] =	stream.indirect.gather [hbm4b:s3+s17], $0x10, s12, s17, $0xb8;
	[tilespmem:$0x14800] =	vst v63  }
0x36: {  	s15 =	simm.s32 $0x6680  }
0x37: {  	[tilespmem:s1], [sflag:$0x2] =	stream.indirect.gather [hbm4b:s3+s17], $0x10, s15, s17, $0xb8;
	[tilespmem:$0x14800] =	vst v63  }
0x38: {  	s16 =	simm.s32 $0x300  }
0x39: {  	[tilespmem:s25], [sflag:$0x2] =	stream.indirect.gather [hbm4b:s3+s17], $0x10, s16, s17, $0xb8;
	[tilespmem:$0x14800] =	vst v63  }
0x3a: {  	s5 =	simm.s32 $0x6700  }
0x3b: {  	[tilespmem:s21], [sflag:$0x2] =	stream.indirect.gather [hbm4b:s3+s17], $0x10, s5, s17, $0xb8;
	[tilespmem:$0x14800] =	vst v63  }
0x3c: {  	s12 =	simm.s32 $0x380  }
0x3d: {  	[tilespmem:s30], [sflag:$0x2] =	stream.indirect.gather [hbm4b:s3+s17], $0x10, s12, s17, $0xb8;
	[tilespmem:$0x14800] =	vst v63  }
0x3e: {  	s15 =	simm.s32 $0x6780  }
0x3f: {  	[tilespmem:s6], [sflag:$0x2] =	stream.indirect.gather [hbm4b:s3+s17], $0x10, s15, s17, $0xb8;
	[tilespmem:$0x14800] =	vst v63  }
0x40: {  	_ =	swait.ge [sflag:s7], $0x2000  }
0x41: {  	[sflag:s7] =	ssyncset.done $0x0  }
0x42: {  	[sflag:s7] =	ssyncadd.s32 $0xFFFFE000  }
0x43: {  	_ =	swait.ge [sflag:s7], $0x2000  }
0x44: {  	[sflag:s7] =	ssyncset.done $0x0;
	s15 =	rddreg [dreg:$0x2]  }
0x45: {  	[sflag:s7] =	ssyncadd.s32 $0xFFFFE000;
	s16 =	sadd.s32 s15, s13  }
0x46: {  	[hbm4b:s16+s2] =	stream.linear.scatter [tilespmem:s18], [sflag:$0x3], $0x2000, $0x38;
	[tilespmem:$0x14800] =	vst v63  }
0x47: {  	s16 =	rddreg [dreg:$0x3]  }
0x48: {  	s5 =	sadd.s32 s16, s13  }
0x49: {  	[hbm4b:s5+s2] =	stream.linear.scatter [tilespmem:s19], [sflag:$0x3], $0x2000, $0x38;
	[tilespmem:$0x14800] =	vst v63  }
0x4a: {  	_ =	swait.ge [sflag:s8], $0x2000  }
0x4b: {  	[sflag:s8] =	ssyncset.done $0x0  }
0x4c: {  	[sflag:s8] =	ssyncadd.s32 $0xFFFFE000  }
0x4d: {  	_ =	swait.ge [sflag:s8], $0x2000  }
0x4e: {  	[sflag:s8] =	ssyncset.done $0x0  }
0x4f: {  	s12 =	simm.s32 $0x400;
	[sflag:s8] =	ssyncadd.s32 $0xFFFFE000  }
0x50: {  	[tilespmem:s18], [sflag:$0x1] =	stream.indirect.gather [hbm4b:s3+s17], $0x10, s12, s17, $0xb8;
	[tilespmem:$0x14800] =	vst v63  }
0x51: {  	s5 =	simm.s32 $0x6800  }
0x52: {  	[tilespmem:s19], [sflag:$0x1] =	stream.indirect.gather [hbm4b:s3+s17], $0x10, s5, s17, $0xb8;
	[tilespmem:$0x14800] =	vst v63  }
0x53: {  	s12 =	simm.s32 $0x480  }
0x54: {  	[tilespmem:s20], [sflag:$0x1] =	stream.indirect.gather [hbm4b:s3+s17], $0x10, s12, s17, $0xb8;
	[tilespmem:$0x14800] =	vst v63  }
0x55: {  	s5 =	simm.s32 $0x6880  }
0x56: {  	[tilespmem:s22], [sflag:$0x1] =	stream.indirect.gather [hbm4b:s3+s17], $0x10, s5, s17, $0xb8;
	[tilespmem:$0x14800] =	vst v63  }
0x57: {  	s12 =	simm.s32 $0x500  }
0x58: {  	[tilespmem:s24], [sflag:$0x1] =	stream.indirect.gather [hbm4b:s3+s17], $0x10, s12, s17, $0xb8;
	[tilespmem:$0x14800] =	vst v63  }
0x59: {  	s5 =	simm.s32 $0x6900  }
0x5a: {  	[tilespmem:s26], [sflag:$0x1] =	stream.indirect.gather [hbm4b:s3+s17], $0x10, s5, s17, $0xb8;
	[tilespmem:$0x14800] =	vst v63  }
0x5b: {  	s12 =	simm.s32 $0x580  }
0x5c: {  	[tilespmem:s29], [sflag:$0x1] =	stream.indirect.gather [hbm4b:s3+s17], $0x10, s12, s17, $0xb8;
	[tilespmem:$0x14800] =	vst v63  }
0x5d: {  	s5 =	simm.s32 $0x6980  }
0x5e: {  	[tilespmem:s31], [sflag:$0x1] =	stream.indirect.gather [hbm4b:s3+s17], $0x10, s5, s17, $0xb8;
	[tilespmem:$0x14800] =	vst v63  }
0x5f: {  	_ =	swait.ge [sflag:s9], $0x2000  }
0x60: {  	[sflag:s9] =	ssyncset.done $0x0  }
0x61: {  	[sflag:s9] =	ssyncadd.s32 $0xFFFFE000  }
0x62: {  	_ =	swait.ge [sflag:s9], $0x2000  }
0x63: {  	[sflag:s9] =	ssyncset.done $0x0  }
0x64: {  	s12 =	sadd.s32 s15, s14;
	[sflag:s9] =	ssyncadd.s32 $0xFFFFE000  }
0x65: {  	[hbm4b:s12+s2] =	stream.linear.scatter [tilespmem:s0], [sflag:$0x4], $0x2000, $0x38;
	[tilespmem:$0x14800] =	vst v63  }
0x66: {  	s5 =	sadd.s32 s16, s14  }
0x67: {  	[hbm4b:s5+s2] =	stream.linear.scatter [tilespmem:s23], [sflag:$0x4], $0x2000, $0x38;
	[tilespmem:$0x14800] =	vst v63  }
0x68: {  	_ =	swait.ge [sflag:s10], $0x2000  }
0x69: {  	[sflag:s10] =	ssyncset.done $0x0  }
0x6a: {  	[sflag:s10] =	ssyncadd.s32 $0xFFFFE000  }
0x6b: {  	_ =	swait.ge [sflag:s10], $0x2000  }
0x6c: {  	[sflag:s10] =	ssyncset.done $0x0  }
0x6d: {  	s12 =	simm.s32 $0x600;
	[sflag:s10] =	ssyncadd.s32 $0xFFFFE000  }
0x6e: {  	[tilespmem:s0], [sflag:$0x2] =	stream.indirect.gather [hbm4b:s3+s17], $0x10, s12, s17, $0xb8;
	[tilespmem:$0x14800] =	vst v63  }
0x6f: {  	s5 =	simm.s32 $0x6A00  }
0x70: {  	[tilespmem:s23], [sflag:$0x2] =	stream.indirect.gather [hbm4b:s3+s17], $0x10, s5, s17, $0xb8;
	[tilespmem:$0x14800] =	vst v63  }
0x71: {  	s12 =	simm.s32 $0x680  }
0x72: {  	[tilespmem:s28], [sflag:$0x2] =	stream.indirect.gather [hbm4b:s3+s17], $0x10, s12, s17, $0xb8;
	[tilespmem:$0x14800] =	vst v63  }
0x73: {  	s5 =	simm.s32 $0x6A80  }
0x74: {  	[tilespmem:s1], [sflag:$0x2] =	stream.indirect.gather [hbm4b:s3+s17], $0x10, s5, s17, $0xb8;
	[tilespmem:$0x14800] =	vst v63  }
0x75: {  	s12 =	simm.s32 $0x700  }
0x76: {  	[tilespmem:s25], [sflag:$0x2] =	stream.indirect.gather [hbm4b:s3+s17], $0x10, s12, s17, $0xb8;
	[tilespmem:$0x14800] =	vst v63  }
0x77: {  	s5 =	simm.s32 $0x6B00  }
0x78: {  	[tilespmem:s21], [sflag:$0x2] =	stream.indirect.gather [hbm4b:s3+s17], $0x10, s5, s17, $0xb8;
	[tilespmem:$0x14800] =	vst v63  }
0x79: {  	s4 =	sadd.s32 $0x800, s15;
	s12 =	simm.s32 $0x780  }
0x7a: {  	[tilespmem:s30], [sflag:$0x2] =	stream.indirect.gather [hbm4b:s3+s17], $0x10, s12, s17, $0xb8;
	[tilespmem:$0x14800] =	vst v63  }
0x7b: {  	s16 =	sadd.s32 $0x800, s16;
	s5 =	simm.s32 $0x6B80;
	s12 =	simm.s32 $0x1000  }
.LBB2_2:
0x7c: {  	[tilespmem:s6], [sflag:$0x2] =	stream.indirect.gather [hbm4b:s3+s17], $0x10, s5, s17, $0xb8;
	[tilespmem:$0x14800] =	vst v63  }
0x7d: {  	s5 =	smov.u32 s12  }
0x7e: {  	p0 =	sne.s32 s12, $0x17000;
	s12 =	sadd.s32 $0x1000, s12;
	_ =	swait.ge [sflag:s7], $0x2000  }
0x7f: {  	[sflag:s7] =	ssyncset.done $0x0  }
0x80: {  	[sflag:s7] =	ssyncadd.s32 $0xFFFFE000  }
0x81: {  	_ =	swait.ge [sflag:s7], $0x2000  }
0x82: {  	[sflag:s7] =	ssyncset.done $0x0  }
0x83: {  	s15 =	sadd.s32 s4, s13;
	[sflag:s7] =	ssyncadd.s32 $0xFFFFE000  }
0x84: {  	[hbm4b:s15+s2] =	stream.linear.scatter [tilespmem:s18], [sflag:$0x3], $0x2000, $0x38;
	[tilespmem:$0x14800] =	vst v63  }
0x85: {  	s15 =	sadd.s32 s16, s13  }
0x86: {  	[hbm4b:s15+s2] =	stream.linear.scatter [tilespmem:s19], [sflag:$0x3], $0x2000, $0x38;
	[tilespmem:$0x14800] =	vst v63  }
0x87: {  	_ =	swait.ge [sflag:s8], $0x2000  }
0x88: {  	[sflag:s8] =	ssyncset.done $0x0  }
0x89: {  	[sflag:s8] =	ssyncadd.s32 $0xFFFFE000  }
0x8a: {  	_ =	swait.ge [sflag:s8], $0x2000  }
0x8b: {  	s5 =	sshra.s32 s5, $0x2;
	[sflag:s8] =	ssyncset.done $0x0  }
0x8c: {  	s15 =	sadd.s32 $0x400, s5;
	[sflag:s8] =	ssyncadd.s32 $0xFFFFE000  }
0x8d: {  	[tilespmem:s18], [sflag:$0x1] =	stream.indirect.gather [hbm4b:s3+s17], $0x10, s15, s17, $0xb8;
	[tilespmem:$0x14800] =	vst v63  }
0x8e: {  	s15 =	sadd.s32 $0x6800, s5  }
0x8f: {  	[tilespmem:s19], [sflag:$0x1] =	stream.indirect.gather [hbm4b:s3+s17], $0x10, s15, s17, $0xb8;
	[tilespmem:$0x14800] =	vst v63  }
0x90: {  	s15 =	sadd.s32 $0x480, s5  }
0x91: {  	[tilespmem:s20], [sflag:$0x1] =	stream.indirect.gather [hbm4b:s3+s17], $0x10, s15, s17, $0xb8;
	[tilespmem:$0x14800] =	vst v63  }
0x92: {  	s15 =	sadd.s32 $0x6880, s5  }
0x93: {  	[tilespmem:s22], [sflag:$0x1] =	stream.indirect.gather [hbm4b:s3+s17], $0x10, s15, s17, $0xb8;
	[tilespmem:$0x14800] =	vst v63  }
0x94: {  	s15 =	sadd.s32 $0x500, s5  }
0x95: {  	[tilespmem:s24], [sflag:$0x1] =	stream.indirect.gather [hbm4b:s3+s17], $0x10, s15, s17, $0xb8;
	[tilespmem:$0x14800] =	vst v63  }
0x96: {  	s15 =	sadd.s32 $0x6900, s5  }
0x97: {  	[tilespmem:s26], [sflag:$0x1] =	stream.indirect.gather [hbm4b:s3+s17], $0x10, s15, s17, $0xb8;
	[tilespmem:$0x14800] =	vst v63  }
0x98: {  	s15 =	sadd.s32 $0x580, s5  }
0x99: {  	[tilespmem:s29], [sflag:$0x1] =	stream.indirect.gather [hbm4b:s3+s17], $0x10, s15, s17, $0xb8;
	[tilespmem:$0x14800] =	vst v63  }
0x9a: {  	s15 =	sadd.s32 $0x6980, s5  }
0x9b: {  	[tilespmem:s31], [sflag:$0x1] =	stream.indirect.gather [hbm4b:s3+s17], $0x10, s15, s17, $0xb8;
	[tilespmem:$0x14800] =	vst v63  }
0x9c: {  	_ =	swait.ge [sflag:s9], $0x2000  }
0x9d: {  	[sflag:s9] =	ssyncset.done $0x0  }
0x9e: {  	[sflag:s9] =	ssyncadd.s32 $0xFFFFE000  }
0x9f: {  	_ =	swait.ge [sflag:s9], $0x2000  }
0xa0: {  	[sflag:s9] =	ssyncset.done $0x0  }
0xa1: {  	s15 =	sadd.s32 s4, s14;
	[sflag:s9] =	ssyncadd.s32 $0xFFFFE000  }
0xa2: {  	[hbm4b:s15+s2] =	stream.linear.scatter [tilespmem:s0], [sflag:$0x4], $0x2000, $0x38;
	[tilespmem:$0x14800] =	vst v63  }
0xa3: {  	s15 =	sadd.s32 s16, s14  }
0xa4: {  	[hbm4b:s15+s2] =	stream.linear.scatter [tilespmem:s23], [sflag:$0x4], $0x2000, $0x38;
	[tilespmem:$0x14800] =	vst v63  }
0xa5: {  	_ =	swait.ge [sflag:s10], $0x2000  }
0xa6: {  	[sflag:s10] =	ssyncset.done $0x0  }
0xa7: {  	[sflag:s10] =	ssyncadd.s32 $0xFFFFE000  }
0xa8: {  	_ =	swait.ge [sflag:s10], $0x2000  }
0xa9: {  	[sflag:s10] =	ssyncset.done $0x0  }
0xaa: {  	s15 =	sadd.s32 $0x600, s5;
	[sflag:s10] =	ssyncadd.s32 $0xFFFFE000  }
0xab: {  	[tilespmem:s0], [sflag:$0x2] =	stream.indirect.gather [hbm4b:s3+s17], $0x10, s15, s17, $0xb8;
	[tilespmem:$0x14800] =	vst v63  }
0xac: {  	s15 =	sadd.s32 $0x6A00, s5  }
0xad: {  	[tilespmem:s23], [sflag:$0x2] =	stream.indirect.gather [hbm4b:s3+s17], $0x10, s15, s17, $0xb8;
	[tilespmem:$0x14800] =	vst v63  }
0xae: {  	s15 =	sadd.s32 $0x680, s5  }
0xaf: {  	[tilespmem:s28], [sflag:$0x2] =	stream.indirect.gather [hbm4b:s3+s17], $0x10, s15, s17, $0xb8;
	[tilespmem:$0x14800] =	vst v63  }
0xb0: {  	s15 =	sadd.s32 $0x6A80, s5  }
0xb1: {  	[tilespmem:s1], [sflag:$0x2] =	stream.indirect.gather [hbm4b:s3+s17], $0x10, s15, s17, $0xb8;
	[tilespmem:$0x14800] =	vst v63  }
0xb2: {  	s15 =	sadd.s32 $0x700, s5  }
0xb3: {  	[tilespmem:s25], [sflag:$0x2] =	stream.indirect.gather [hbm4b:s3+s17], $0x10, s15, s17, $0xb8;
	[tilespmem:$0x14800] =	vst v63  }
.Ltmp0:
0xb4: {  	s15 =	sadd.s32 $0x6B00, s5;
	(pc) =	sbr.rel @p0 .LBB2_2-.Ltmp0, $4  }
0xb5: {  	[tilespmem:s21], [sflag:$0x2] =	stream.indirect.gather [hbm4b:s3+s17], $0x10, s15, s17, $0xb8;
	[tilespmem:$0x14800] =	vst v63  }
0xb6: {  	s15 =	sadd.s32 $0x780, s5  }
0xb7: {  	[tilespmem:s30], [sflag:$0x2] =	stream.indirect.gather [hbm4b:s3+s17], $0x10, s15, s17, $0xb8;
	[tilespmem:$0x14800] =	vst v63  }
0xb8: {  	s4 =	sadd.s32 $0x800, s4;
	s16 =	sadd.s32 $0x800, s16;
	s5 =	sadd.s32 $0x6B80, s5  }
0xb9: {  	[tilespmem:s6], [sflag:$0x2] =	stream.indirect.gather [hbm4b:s3+s17], $0x10, s5, s17, $0xb8;
	[tilespmem:$0x14800] =	vst v63  }
0xba: {  	_ =	swait.ge [sflag:s7], $0x2000  }
0xbb: {  	[sflag:s7] =	ssyncset.done $0x0  }
0xbc: {  	[sflag:s7] =	ssyncadd.s32 $0xFFFFE000  }
0xbd: {  	_ =	swait.ge [sflag:s7], $0x2000  }
0xbe: {  	[sflag:s7] =	ssyncset.done $0x0  }
0xbf: {  	s4 =	rddreg [dreg:$0x6];
	[sflag:s7] =	ssyncadd.s32 $0xFFFFE000  }
0xc0: {  	[hbm4b:s4+s2] =	stream.linear.scatter [tilespmem:s18], [sflag:$0x3], $0x2000, $0x38;
	[tilespmem:$0x14800] =	vst v63  }
0xc1: {  	s5 =	rddreg [dreg:$0x7]  }
0xc2: {  	[hbm4b:s5+s2] =	stream.linear.scatter [tilespmem:s19], [sflag:$0x3], $0x2000, $0x38;
	[tilespmem:$0x14800] =	vst v63  }
0xc3: {  	_ =	swait.ge [sflag:s9], $0x2000  }
0xc4: {  	[sflag:s9] =	ssyncset.done $0x0  }
0xc5: {  	[sflag:s9] =	ssyncadd.s32 $0xFFFFE000  }
0xc6: {  	_ =	swait.ge [sflag:s9], $0x2000  }
0xc7: {  	[sflag:s9] =	ssyncset.done $0x0  }
0xc8: {  	s12 =	rddreg [dreg:$0x8];
	[sflag:s9] =	ssyncadd.s32 $0xFFFFE000  }
0xc9: {  	[hbm4b:s12+s2] =	stream.linear.scatter [tilespmem:s0], [sflag:$0x4], $0x2000, $0x38;
	[tilespmem:$0x14800] =	vst v63  }
0xca: {  	s15 =	rddreg [dreg:$0x9]  }
0xcb: {  	[hbm4b:s15+s2] =	stream.linear.scatter [tilespmem:s23], [sflag:$0x4], $0x2000, $0x38;
	[tilespmem:$0x14800] =	vst v63  }
0xcc: {  	_ =	swait.ge [sflag:s8], $0x2000  }
0xcd: {  	[sflag:s8] =	ssyncset.done $0x0  }
0xce: {  	[sflag:s8] =	ssyncadd.s32 $0xFFFFE000  }
0xcf: {  	_ =	swait.ge [sflag:s8], $0x2000  }
0xd0: {  	[sflag:s8] =	ssyncset.done $0x0  }
0xd1: {  	[sflag:s8] =	ssyncadd.s32 $0xFFFFE000  }
0xd2: {  	_ =	swait.ge [sflag:s10], $0x2000  }
0xd3: {  	[sflag:s10] =	ssyncset.done $0x0  }
0xd4: {  	[sflag:s10] =	ssyncadd.s32 $0xFFFFE000  }
0xd5: {  	_ =	swait.ge [sflag:s10], $0x2000  }
0xd6: {  	s11 =	sadd.s32 $0x1, s11;
	s16 =	rddreg [dreg:$0xa]  }
0xd7: {  	p0 =	sne.s32 s11, s16  }
.Ltmp1:
0xd8: {  	_ = 	snop;
	(pc) =	sbr.rel @p0 .LBB2_1-.Ltmp1, $3  }
0xd9: {  	_ =	sdelay $0x1  }
0xda: {  	[sflag:s10] =	ssyncset.done $0x0  }
0xdb: {  	[sflag:s10] =	ssyncadd.s32 $0xFFFFE000  }
0xdc: {  	_ =	sfence.sel $0x180000  }
0xdd: {  	[bflag:$0x0] =	sbarrier.arrive $0xFFFF  }
0xde: {  	_ =	strace $0x90000047  }
0xdf: {  	s0 =	stileid.u32;
	[bflag:$0x2] =	sbarrier.arrive $0xFFFF  }
0xe0: {  	p0 =	sne.s32 s0, $0x0;
	s0 =	rddreg [dreg:$0x1]  }
0xe1: {  	s0 =	sadd.s32 @!p0 $0x100000, s0  }
0xe2: {  	[sflag:s0] =	ssyncadd.tile.s32 @!p0 $0x1;
	_ =	shalt  }
.Lfunc_end2:
_tile_overlayer_lowered:
.L_overlay_start_2:
0xe3: {  	(tag) =	ssettag $0x2  }
0xe4: {  	s0 =	rddreg [dreg:$0x0];
	s2 =	stileid.u32  }
0xe5: {  	s1 =	rddreg [dreg:$0x1];
	p0 =	sne.s32 s2, $0x0  }
0xe6: {  	s3 =	rddreg [dreg:$0x2];
	[bflag:$0x3] =	sbarrier.arrive $0xFFFF;
	s2 =	simm.s32 @!p0 $0x1C05  }
0xe7: {  	[timem:s3], [sflag:s2] =	dma.local @!p0 [hbm:s0], s1  }
0xe8: {  	s0 =	simm.s32 @!p0 $0x5  }
0xe9: {  	_ =	swait.ge @!p0 [sflag:s0], s1  }
0xea: {  	s1 =	ssub.s32 @!p0 $0x0, s1;
	[sflag:s0] =	ssyncset.done @!p0 $0x0  }
0xeb: {  	[sflag:s0] =	ssyncadd.s32 @!p0 s1  }
0xec: {  	[bflag:$0x3] =	sbarrier.arrive $0xFFFF  }
0xed: {  	_ =	shalt  }

</sc_bundles>
